<compile_context>
chip_gen: v7x
topology: tpu7x:2x2x1
jax: 0.10.2.dev20260603
libtpu: 0.0.44.dev20260713+nightly
codegen_flags: <defaults>
</compile_context>

<pallas_src>
import functools

import jax
import jax.numpy as jnp
from jax import lax
from jax.experimental import pallas as pl
from jax.experimental.pallas import tpu as pltpu
from jax.experimental.pallas import tpu_sc as plsc

_NC = 2
_NS = 16
_CH = 128
_ZR = 64
_BM = 256
_DEGW = 16


def _round_up(v, m):
    return (v + m - 1) // m * m


def _make_sc_deg(NP, EP):
    n_idx_rows = EP // _CH
    rows_per_worker = n_idx_rows // (_NC * _NS)
    acc_rows_per_sub = NP // _NS
    D = _DEGW
    mesh = plsc.VectorSubcoreMesh(core_axis_name="c", subcore_axis_name="s")

    @functools.partial(
        pl.kernel,
        mesh=mesh,
        out_type=jax.ShapeDtypeStruct((_NC * NP, D), jnp.float32),
        scratch_types=[
            pltpu.VMEM((rows_per_worker, _CH), jnp.int32),
            pltpu.VMEM((_ZR, D), jnp.float32),
            pltpu.VMEM((_CH, D), jnp.float32),
            pltpu.VMEM_SHARED((NP, D), jnp.float32),
            pltpu.SemaphoreType.DMA,
        ],
        compiler_params=pltpu.CompilerParams(use_tc_tiling_on_sc=False),
    )
    def k(dst_hbm, out_hbm, dst_v, zbuf, rbuf, acc, sem):
        c = lax.axis_index("c")
        s = lax.axis_index("s")

        def zstore(i, _):
            r = i // (D // 16)
            col = (i % (D // 16)) * 16
            zbuf[r, pl.ds(col, 16)] = jnp.zeros((16,), jnp.float32)
            return 0
        lax.fori_loop(0, _ZR * D // 16, zstore, 0)
        def ostore(i, _):
            r = i // (D // 16)
            col = (i % (D // 16)) * 16
            rbuf[r, pl.ds(col, 16)] = jnp.ones((16,), jnp.float32)
            return 0
        lax.fori_loop(0, _CH * D // 16, ostore, 0)

        row_base = s * acc_rows_per_sub
        wrow = (c * _NS + s) * rows_per_worker
        pltpu.sync_copy(dst_hbm.at[pl.ds(wrow, rows_per_worker)], dst_v)

        def zdesc(j):
            return pltpu.make_async_copy(
                zbuf, acc.at[pl.ds(row_base + j * _ZR, _ZR)], sem)
        def zcopy(j, _):
            zdesc(j).start()
            return 0
        lax.fori_loop(0, acc_rows_per_sub // _ZR, zcopy, 0)
        def zwait(j, _):
            zdesc(j).wait()
            return 0
        lax.fori_loop(0, acc_rows_per_sub // _ZR, zwait, 0)
        plsc.subcore_barrier()

        def step(j, _):
            pltpu.sync_copy(rbuf, acc.at[dst_v.at[j]], add=True)
            return 0
        lax.fori_loop(0, rows_per_worker, step, 0)
        plsc.subcore_barrier()

        pltpu.sync_copy(acc.at[pl.ds(row_base, acc_rows_per_sub)],
                        out_hbm.at[pl.ds(c * NP + row_base, acc_rows_per_sub)])

    return k


def _make_sc_agg(NP, D, EP):
    n_idx_rows = EP // _CH
    rows_per_worker = n_idx_rows // (_NC * _NS)
    acc_rows_per_sub = NP // _NS
    mesh = plsc.VectorSubcoreMesh(core_axis_name="c", subcore_axis_name="s")

    @functools.partial(
        pl.kernel,
        mesh=mesh,
        out_type=jax.ShapeDtypeStruct((_NC * NP, D), jnp.float32),
        scratch_types=[
            pltpu.VMEM((rows_per_worker, _CH), jnp.int32),
            pltpu.VMEM((rows_per_worker, _CH), jnp.int32),
            pltpu.VMEM((_ZR, D), jnp.float32),
            pltpu.VMEM((_CH, D), jnp.float32),
            pltpu.VMEM((_CH, D), jnp.float32),
            pltpu.VMEM_SHARED((NP, D), jnp.float32),
            pltpu.VMEM_SHARED((NP, D), jnp.float32),
            pltpu.SemaphoreType.DMA,
            pltpu.SemaphoreType.DMA,
            pltpu.SemaphoreType.DMA,
            pltpu.SemaphoreType.DMA,
        ],
        compiler_params=pltpu.CompilerParams(use_tc_tiling_on_sc=False),
    )
    def k(g_hbm, src_hbm, dst_hbm, out_hbm, src_v, dst_v, zbuf, rbuf, rbuf1,
          gsh, acc, sem, sem1, ssem, ssem1):
        c = lax.axis_index("c")
        s = lax.axis_index("s")

        def zstore(i, _):
            r = i // (D // 16)
            col = (i % (D // 16)) * 16
            zbuf[r, pl.ds(col, 16)] = jnp.zeros((16,), jnp.float32)
            return 0
        lax.fori_loop(0, _ZR * D // 16, zstore, 0)

        row_base = s * acc_rows_per_sub
        wrow = (c * _NS + s) * rows_per_worker
        pltpu.async_copy(dst_hbm.at[pl.ds(wrow, rows_per_worker)], dst_v, ssem)
        pltpu.async_copy(src_hbm.at[pl.ds(wrow, rows_per_worker)], src_v,
                         ssem1)
        gstage = pltpu.make_async_copy(
            g_hbm.at[pl.ds(row_base, acc_rows_per_sub)],
            gsh.at[pl.ds(row_base, acc_rows_per_sub)], sem1)
        gstage.start()

        def zdesc(j):
            return pltpu.make_async_copy(
                zbuf, acc.at[pl.ds(row_base + j * _ZR, _ZR)], sem)
        def zcopy(j, _):
            zdesc(j).start()
            return 0
        lax.fori_loop(0, acc_rows_per_sub // _ZR, zcopy, 0)
        def zwait(j, _):
            zdesc(j).wait()
            return 0
        lax.fori_loop(0, acc_rows_per_sub // _ZR, zwait, 0)
        gstage.wait()
        pltpu.make_async_copy(
            dst_hbm.at[pl.ds(wrow, rows_per_worker)], dst_v, ssem).wait()
        pltpu.make_async_copy(
            src_hbm.at[pl.ds(wrow, rows_per_worker)], src_v, ssem1).wait()
        plsc.subcore_barrier()

        def _g(j, buf, sm):
            return pltpu.make_async_copy(gsh.at[src_v.at[j]], buf, sm)
        _g(0, rbuf, sem).start()
        if rows_per_worker > 1:
            _g(1, rbuf1, sem1).start()

        def step(j2, _):
            j = 2 * j2
            _g(j, rbuf, sem).wait()
            pltpu.sync_copy(rbuf, acc.at[dst_v.at[j]], add=True)
            @pl.when(j + 2 < rows_per_worker)
            def _():
                _g(j + 2, rbuf, sem).start()
            @pl.when(j + 1 < rows_per_worker)
            def _():
                _g(j + 1, rbuf1, sem1).wait()
                pltpu.sync_copy(rbuf1, acc.at[dst_v.at[j + 1]], add=True)
                @pl.when(j + 3 < rows_per_worker)
                def _():
                    _g(j + 3, rbuf1, sem1).start()
            return 0
        lax.fori_loop(0, (rows_per_worker + 1) // 2, step, 0)
        plsc.subcore_barrier()

        pltpu.sync_copy(acc.at[pl.ds(row_base, acc_rows_per_sub)],
                        out_hbm.at[pl.ds(c * NP + row_base, acc_rows_per_sub)])

    return k


def _make_sc_agg2(NP, D, EP):
    n_idx_rows = EP // _CH
    rows_per_worker = n_idx_rows // (_NC * _NS)
    acc_rows_per_sub = NP // _NS
    mesh = plsc.VectorSubcoreMesh(core_axis_name="c", subcore_axis_name="s")

    @functools.partial(
        pl.kernel,
        mesh=mesh,
        out_type=[jax.ShapeDtypeStruct((_NC * NP, D), jnp.float32),
                  jax.ShapeDtypeStruct((_NC * NP, D), jnp.float32)],
        scratch_types=[
            pltpu.VMEM((rows_per_worker, _CH), jnp.int32),
            pltpu.VMEM((rows_per_worker, _CH), jnp.int32),
            pltpu.VMEM((_ZR, D), jnp.float32),
            pltpu.VMEM((_CH, D), jnp.float32),
            pltpu.VMEM((_CH, D), jnp.float32),
            pltpu.VMEM_SHARED((NP, D), jnp.float32),
            pltpu.VMEM_SHARED((NP, D), jnp.float32),
            pltpu.SemaphoreType.DMA,
            pltpu.SemaphoreType.DMA,
            pltpu.SemaphoreType.DMA,
            pltpu.SemaphoreType.DMA,
        ],
        compiler_params=pltpu.CompilerParams(use_tc_tiling_on_sc=False),
    )
    def k(gl_hbm, gr_hbm, src_hbm, dst_hbm, outl_hbm, outr_hbm, src_v, dst_v,
          zbuf, rbuf, rbuf1, gsh, acc, sem, sem1, ssem, ssem1):
        c = lax.axis_index("c")
        s = lax.axis_index("s")

        def zstore(i, _):
            r = i // (D // 16)
            col = (i % (D // 16)) * 16
            zbuf[r, pl.ds(col, 16)] = jnp.zeros((16,), jnp.float32)
            return 0
        lax.fori_loop(0, _ZR * D // 16, zstore, 0)

        row_base = s * acc_rows_per_sub
        wrow = (c * _NS + s) * rows_per_worker
        pltpu.async_copy(dst_hbm.at[pl.ds(wrow, rows_per_worker)], dst_v, ssem)
        pltpu.async_copy(src_hbm.at[pl.ds(wrow, rows_per_worker)], src_v,
                         ssem1)

        def gstage(g_hbm):
            return pltpu.make_async_copy(
                g_hbm.at[pl.ds(row_base, acc_rows_per_sub)],
                gsh.at[pl.ds(row_base, acc_rows_per_sub)], sem1)

        def zdesc(j):
            return pltpu.make_async_copy(
                zbuf, acc.at[pl.ds(row_base + j * _ZR, _ZR)], sem)

        def zero_acc():
            def zcopy(j, _):
                zdesc(j).start()
                return 0
            lax.fori_loop(0, acc_rows_per_sub // _ZR, zcopy, 0)
            def zwait(j, _):
                zdesc(j).wait()
                return 0
            lax.fori_loop(0, acc_rows_per_sub // _ZR, zwait, 0)

        def edge_pipeline():
            def _g(j, buf, sm):
                return pltpu.make_async_copy(gsh.at[src_v.at[j]], buf, sm)
            _g(0, rbuf, sem).start()
            if rows_per_worker > 1:
                _g(1, rbuf1, sem1).start()

            def step(j2, _):
                j = 2 * j2
                _g(j, rbuf, sem).wait()
                pltpu.sync_copy(rbuf, acc.at[dst_v.at[j]], add=True)
                @pl.when(j + 2 < rows_per_worker)
                def _():
                    _g(j + 2, rbuf, sem).start()
                @pl.when(j + 1 < rows_per_worker)
                def _():
                    _g(j + 1, rbuf1, sem1).wait()
                    pltpu.sync_copy(rbuf1, acc.at[dst_v.at[j + 1]], add=True)
                    @pl.when(j + 3 < rows_per_worker)
                    def _():
                        _g(j + 3, rbuf1, sem1).start()
                return 0
            lax.fori_loop(0, (rows_per_worker + 1) // 2, step, 0)

        def out_desc(out_hbm, sm):
            return pltpu.make_async_copy(
                acc.at[pl.ds(row_base, acc_rows_per_sub)],
                out_hbm.at[pl.ds(c * NP + row_base, acc_rows_per_sub)], sm)

        stage = gstage(gl_hbm)
        stage.start()
        zero_acc()
        stage.wait()
        pltpu.make_async_copy(
            dst_hbm.at[pl.ds(wrow, rows_per_worker)], dst_v, ssem).wait()
        pltpu.make_async_copy(
            src_hbm.at[pl.ds(wrow, rows_per_worker)], src_v, ssem1).wait()
        plsc.subcore_barrier()
        edge_pipeline()
        plsc.subcore_barrier()
        outl = out_desc(outl_hbm, ssem)
        outl.start()

        stage = gstage(gr_hbm)
        stage.start()
        outl.wait()
        zero_acc()
        stage.wait()
        plsc.subcore_barrier()
        edge_pipeline()
        plsc.subcore_barrier()
        out_desc(outr_hbm, ssem).start()
        out_desc(outr_hbm, ssem).wait()

    return k


def _dis(dega_ref, degb_ref):
    deg = dega_ref[...][:, :1] + degb_ref[...][:, :1] + 1.0
    return lax.rsqrt(deg)


def _half_specs(d, nblk):
    return [pl.BlockSpec((_BM, d), lambda i: (i, 0)),
            pl.BlockSpec((_BM, d), lambda i, nb=nblk: (i + nb, 0))]


def _mm1_body(dega_ref, degb_ref, x_ref, w_ref, o1_ref, o2_ref):
    dis = _dis(dega_ref, degb_ref)
    h = w_ref.shape[1] // 2
    res = jnp.dot(x_ref[...], w_ref[...],
                  preferred_element_type=jnp.float32) * dis
    o1_ref[...] = res[:, :h]
    o2_ref[...] = res[:, h:]


def _mid_body(dega_ref, degb_ref, sla_ref, slb_ref, sra_ref, srb_ref,
              g1l_ref, g1r_ref, b1_ref, w2_ref, o_ref):
    dis = _dis(dega_ref, degb_ref)
    h = g1l_ref.shape[1]
    ul = dis * (sla_ref[...] + slb_ref[...] + g1l_ref[...]) + b1_ref[:, :h]
    ur = dis * (sra_ref[...] + srb_ref[...] + g1r_ref[...]) + b1_ref[:, h:]
    u = jnp.maximum(jnp.concatenate([ul, ur], axis=1), 0.0)
    o_ref[...] = jnp.dot(u, w2_ref[...], preferred_element_type=jnp.float32) * dis


def _fin_body(dega_ref, degb_ref, s2a_ref, s2b_ref, g2_ref, b2_ref, o_ref):
    dis = _dis(dega_ref, degb_ref)
    o_ref[...] = dis * (s2a_ref[...] + s2b_ref[...] + g2_ref[...]) + b2_ref[...]


def _row_spec(d):
    return pl.BlockSpec((_BM, d), lambda i: (i, 0))


def _full_spec(r, c):
    return pl.BlockSpec((r, c), lambda i: (0, 0))


def kernel(x, edge_index, W1, b1, W2, b2):
    N, F = x.shape
    E = edge_index.shape[1]
    D1 = W1.shape[1]
    D2 = W2.shape[1]
    DH = D1 // 2
    NP = _round_up(N + 1, _NS * _ZR)
    EP = _round_up(E, _NC * _NS * _CH)

    pad = jnp.full((EP - E,), N, jnp.int32)
    src = jnp.concatenate([edge_index[0], pad]).reshape(EP // _CH, _CH)
    dst = jnp.concatenate([edge_index[1], pad]).reshape(EP // _CH, _CH)

    degp = _make_sc_deg(NP, EP)(dst)

    nblk = NP // _BM
    grid = (nblk,)
    deg_specs = _half_specs(_DEGW, nblk)

    g1l, g1r = pl.pallas_call(
        _mm1_body,
        grid=grid,
        in_specs=deg_specs + [_row_spec(F), _full_spec(F, D1)],
        out_specs=[_row_spec(DH), _row_spec(DH)],
        out_shape=[jax.ShapeDtypeStruct((NP, DH), jnp.float32),
                   jax.ShapeDtypeStruct((NP, DH), jnp.float32)],
    )(degp, degp, x, W1)

    s1l, s1r = _make_sc_agg2(NP, DH, EP)(g1l, g1r, src, dst)

    g2 = pl.pallas_call(
        _mid_body,
        grid=grid,
        in_specs=(deg_specs + _half_specs(DH, nblk) + _half_specs(DH, nblk)
                  + [_row_spec(DH), _row_spec(DH), _full_spec(1, D1),
                     _full_spec(D1, D2)]),
        out_specs=_row_spec(D2),
        out_shape=jax.ShapeDtypeStruct((NP, D2), jnp.float32),
    )(degp, degp, s1l, s1l, s1r, s1r, g1l, g1r, b1.reshape(1, D1), W2)

    s2 = _make_sc_agg(NP, D2, EP)(g2, src, dst)

    out = pl.pallas_call(
        _fin_body,
        grid=grid,
        in_specs=deg_specs + _half_specs(D2, nblk) + [_row_spec(D2),
                  _full_spec(1, D2)],
        out_specs=_row_spec(D2),
        out_shape=jax.ShapeDtypeStruct((N, D2), jnp.float32),
    )(degp, degp, s2, s2, g2, b2.reshape(1, D2))

    return out

# --- scband reference (transcript-rebuilt; emitter-appended) ---
"""Pipeline reference for scband-aadhaar-gnn-13752485281943 (READ-ONLY COPY).

The authoritative reference and input builder live on the scoring server;
editing this copy changes nothing except your own understanding.
"""

import jax, jax.numpy as jnp
import numpy as np


def gcn_conv(x, edge_index, W, b):
    # Faithful GCNConv (PyG semantics): add self-loops, symmetric normalization,
    # linear transform, scatter-add aggregation, bias.
    N = x.shape[0]
    loops = jnp.arange(N, dtype=edge_index.dtype)
    src = jnp.concatenate([edge_index[0], loops])
    dst = jnp.concatenate([edge_index[1], loops])
    deg = jnp.zeros((N,), dtype=x.dtype).at[dst].add(1.0)
    deg_inv_sqrt = jnp.where(deg > 0, deg ** -0.5, 0.0)
    norm = deg_inv_sqrt[src] * deg_inv_sqrt[dst]
    h = x @ W
    msg = h[src] * norm[:, None]
    out = jnp.zeros((N, W.shape[1]), dtype=x.dtype).at[dst].add(msg)
    return out + b


def setup_inputs(seed: int = 0):
    key = jax.random.key(seed)
    k1, k2, k3, k4, k5, k6 = jax.random.split(key, 6)
    N, E = 10000, 160000
    x = jax.random.normal(k1, (N, 400), dtype=jnp.float32)
    edge_index = jax.random.randint(k2, (2, E), 0, N, dtype=jnp.int32)
    W1 = jax.random.normal(k3, (400, 128), dtype=jnp.float32) * 0.05
    b1 = jnp.zeros((128,), dtype=jnp.float32)
    W2 = jax.random.normal(k4, (128, 64), dtype=jnp.float32) * 0.05
    b2 = jnp.zeros((64,), dtype=jnp.float32)
    return {"x": x, "edge_index": edge_index, "W1": W1, "b1": b1, "W2": W2, "b2": b2}


def reference(x, edge_index, W1, b1, W2, b2):
    h = jax.nn.relu(gcn_conv(x, edge_index, W1, b1))
    return gcn_conv(h, edge_index, W2, b2)

if __name__ == "__main__":
    import jax
    _d = setup_inputs()
    print(jax.jit(kernel)(*tuple(_d.values())))

</pallas_src>

<mosaic_0001>
#map = affine_map<(d0, d1) -> (0, 0)>
module attributes {stable_mosaic.version = 14 : i64} {
  func.func @k(%arg0: i32, %arg1: i32, %arg2: memref<10240x64xf32, #tpu.memory_space<hbm>>, %arg3: memref<10240x64xf32, #tpu.memory_space<hbm>>, %arg4: memref<1280x128xi32, #tpu.memory_space<hbm>>, %arg5: memref<1280x128xi32, #tpu.memory_space<hbm>>, %arg6: memref<20480x64xf32, #tpu.memory_space<hbm>>, %arg7: memref<20480x64xf32, #tpu.memory_space<hbm>>, %arg8: memref<40x128xi32, #tpu.memory_space<vmem>>, %arg9: memref<40x128xi32, #tpu.memory_space<vmem>>, %arg10: memref<64x64xf32, #tpu.memory_space<vmem>>, %arg11: memref<128x64xf32, #tpu.memory_space<vmem>>, %arg12: memref<128x64xf32, #tpu.memory_space<vmem>>, %arg13: memref<10240x64xf32, #tpu.memory_space<vmem_shared>>, %arg14: memref<10240x64xf32, #tpu.memory_space<vmem_shared>>, %arg15: memref<!tpu.dma_semaphore, #tpu.memory_space<semaphore_mem>>, %arg16: memref<!tpu.dma_semaphore, #tpu.memory_space<semaphore_mem>>, %arg17: memref<!tpu.dma_semaphore, #tpu.memory_space<semaphore_mem>>, %arg18: memref<!tpu.dma_semaphore, #tpu.memory_space<semaphore_mem>>) attributes {dimension_semantics = [#tpu.dimension_semantics<core_parallel>, #tpu.dimension_semantics<subcore_parallel>], iteration_bounds = array<i64: 2, 16>, scalar_prefetch = 0 : i64, scratch_operands = 11 : i64, tpu.core_type = #tpu.core_type<sc_vector_subcore>, window_params = [{transform_indices = #map}, {transform_indices = #map}, {transform_indices = #map}, {transform_indices = #map}, {transform_indices = #map}, {transform_indices = #map}]} {
    %scan3A = arith.constant 0 : i32
    %scan3A_0 = arith.constant 0 : i32
    %scan3A_1 = arith.constant 256 : i32
    %scan3A_2 = arith.addi %scan3A_0, %scan3A_1 : i32
    %scan3A_3 = arith.constant 1 : i32
    %scan3A_4 = scf.for %scan3A_139 = %scan3A_0 to %scan3A_2 step %scan3A_3 iter_args(%scan3A_140 = %scan3A) -> (i32)  : i32 {
      %jit3A = arith.constant 4 : i32
      %div3A = arith.divsi %scan3A_139, %jit3A : i32
      %sign3A = arith.constant 0 : i32
      %sign3A_141 = arith.cmpi sgt, %scan3A_139, %sign3A : i32
      %sign3A_142 = arith.extui %sign3A_141 : i1 to i32
      %sign3A_143 = arith.constant 0 : i32
      %sign3A_144 = arith.cmpi slt, %scan3A_139, %sign3A_143 : i32
      %sign3A_145 = arith.extui %sign3A_144 : i1 to i32
      %sign3A_146 = arith.subi %sign3A_142, %sign3A_145 : i32
      %sign3A_147 = arith.constant 0 : i32
      %sign3A_148 = arith.cmpi sgt, %jit3A, %sign3A_147 : i32
      %sign3A_149 = arith.extui %sign3A_148 : i1 to i32
      %sign3A_150 = arith.constant 0 : i32
      %sign3A_151 = arith.cmpi slt, %jit3A, %sign3A_150 : i32
      %sign3A_152 = arith.extui %sign3A_151 : i1 to i32
      %sign3A_153 = arith.subi %sign3A_149, %sign3A_152 : i32
      %ne3A = arith.cmpi ne, %sign3A_146, %sign3A_153 : i32
      %rem3A = arith.remsi %scan3A_139, %jit3A : i32
      %ne3A_154 = arith.constant 0 : i32
      %ne3A_155 = arith.cmpi ne, %rem3A, %ne3A_154 : i32
      %and3A = arith.andi %ne3A, %ne3A_155 : i1
      %sub3A = arith.constant 1 : i32
      %sub3A_156 = arith.subi %div3A, %sub3A : i32
      %select_n3A = arith.select %and3A, %sub3A_156, %div3A : i32
      %jit3A_157 = arith.constant 4 : i32
      %eq3A = arith.constant 0 : i32
      %eq3A_158 = arith.cmpi eq, %jit3A_157, %eq3A : i32
      %jit3A_159 = arith.constant 1 : i32
      %select_n3A_160 = arith.select %eq3A_158, %jit3A_159, %jit3A_157 : i32
      %rem3A_161 = arith.remsi %scan3A_139, %select_n3A_160 : i32
      %ne3A_162 = arith.constant 0 : i32
      %ne3A_163 = arith.cmpi ne, %rem3A_161, %ne3A_162 : i32
      %lt3A = arith.constant 0 : i32
      %lt3A_164 = arith.cmpi slt, %rem3A_161, %lt3A : i32
      %lt3A_165 = arith.constant 0 : i32
      %lt3A_166 = arith.cmpi slt, %select_n3A_160, %lt3A_165 : i32
      %ne3A_167 = arith.xori %lt3A_164, %lt3A_166 : i1
      %and3A_168 = arith.andi %ne3A_167, %ne3A_163 : i1
      %add3A_169 = arith.addi %rem3A_161, %select_n3A_160 : i32
      %select_n3A_170 = arith.select %and3A_168, %add3A_169, %rem3A_161 : i32
      %mul3A_171 = arith.constant 16 : i32
      %mul3A_172 = arith.muli %select_n3A_170, %mul3A_171 : i32
      %broadcast_in_dim3A = arith.constant 0.000000e+00 : f32
      %broadcast_in_dim3A_173 = vector.broadcast %broadcast_in_dim3A : f32 to vector<16xf32>
      %swap3A = arith.index_cast %select_n3A : i32 to index
      %swap3A_174 = arith.index_cast %mul3A_172 : i32 to index
      %swap3A_175 = tpu.vector_load %arg10[%swap3A, %swap3A_174] {strides = array<i32>} : memref<64x64xf32, #tpu.memory_space<vmem>>, vector<1x16xf32>,
      %swap3A_176 = vector.shape_cast %swap3A_175 : vector<1x16xf32> to vector<16xf32>
      %swap3A_177 = vector.shape_cast %broadcast_in_dim3A_173 : vector<16xf32> to vector<1x16xf32>
      tpu.vector_store %arg10[%swap3A, %swap3A_174], %swap3A_177 {strides = array<i32>} : memref<64x64xf32, #tpu.memory_space<vmem>>, vector<1x16xf32>,
      %scan3A_178 = arith.constant 0 : i32
      scf.yield %scan3A_178 : i32
    }
    %scan3A_5 = arith.constant 256 : i32
    %mul3A = arith.constant 640 : i32
    %mul3A_6 = arith.muli %arg1, %mul3A : i32
    %mul3A_7 = arith.constant 16 : i32
    %mul3A_8 = arith.muli %arg0, %mul3A_7 : i32
    %add3A = arith.addi %mul3A_8, %arg1 : i32
    %mul3A_9 = arith.constant 40 : i32
    %mul3A_10 = arith.muli %add3A, %mul3A_9 : i32
    %dma_start3A = arith.constant 0 : i32
    %dma_start3A_11 = tpu.memref_slice %arg5[%mul3A_10, %dma_start3A] : memref<1280x128xi32, #tpu.memory_space<hbm>> -> memref<40x128xi32, #tpu.memory_space<hbm>>
    %dma_start3A_12 = arith.constant 0 : i32
    %dma_start3A_13 = tpu.memref_slice %arg5[%mul3A_10, %dma_start3A_12] : memref<1280x128xi32, #tpu.memory_space<hbm>> -> memref<40x128xi32, #tpu.memory_space<hbm>>
    tpu.enqueue_dma source(%dma_start3A_13 : memref<40x128xi32, #tpu.memory_space<hbm>>) target(%arg9 : memref<40x128xi32, #tpu.memory_space<vmem>>) target_semaphore(%arg17 : memref<!tpu.dma_semaphore, #tpu.memory_space<semaphore_mem>>)
    %dma_start3A_14 = arith.constant 0 : i32
    %dma_start3A_15 = tpu.memref_slice %arg4[%mul3A_10, %dma_start3A_14] : memref<1280x128xi32, #tpu.memory_space<hbm>> -> memref<40x128xi32, #tpu.memory_space<hbm>>
    %dma_start3A_16 = arith.constant 0 : i32
    %dma_start3A_17 = tpu.memref_slice %arg4[%mul3A_10, %dma_start3A_16] : memref<1280x128xi32, #tpu.memory_space<hbm>> -> memref<40x128xi32, #tpu.memory_space<hbm>>
    tpu.enqueue_dma source(%dma_start3A_17 : memref<40x128xi32, #tpu.memory_space<hbm>>) target(%arg8 : memref<40x128xi32, #tpu.memory_space<vmem>>) target_semaphore(%arg18 : memref<!tpu.dma_semaphore, #tpu.memory_space<semaphore_mem>>)
    %dma_start3A_18 = arith.constant 0 : i32
    %dma_start3A_19 = tpu.memref_slice %arg13[%mul3A_6, %dma_start3A_18] : memref<10240x64xf32, #tpu.memory_space<vmem_shared>> -> memref<640x64xf32, #tpu.memory_space<vmem_shared>>
    %dma_start3A_20 = arith.constant 0 : i32
    %dma_start3A_21 = tpu.memref_slice %arg2[%mul3A_6, %dma_start3A_20] : memref<10240x64xf32, #tpu.memory_space<hbm>> -> memref<640x64xf32, #tpu.memory_space<hbm>>
    tpu.enqueue_dma source(%dma_start3A_21 : memref<640x64xf32, #tpu.memory_space<hbm>>) target(%dma_start3A_19 : memref<640x64xf32, #tpu.memory_space<vmem_shared>>) target_semaphore(%arg16 : memref<!tpu.dma_semaphore, #tpu.memory_space<semaphore_mem>>)
    %scan3A_22 = arith.constant 0 : i32
    %scan3A_23 = arith.constant 0 : i32
    %scan3A_24 = arith.constant 10 : i32
    %scan3A_25 = arith.addi %scan3A_23, %scan3A_24 : i32
    %scan3A_26 = arith.constant 1 : i32
    %scan3A_27 = scf.for %scan3A_139 = %scan3A_23 to %scan3A_25 step %scan3A_26 iter_args(%scan3A_140 = %scan3A_22) -> (i32)  : i32 {
      %mul3A_141 = arith.constant 64 : i32
      %mul3A_142 = arith.muli %scan3A_139, %mul3A_141 : i32
      %add3A_143 = arith.addi %mul3A_6, %mul3A_142 : i32
      %dma_start3A_144 = arith.constant 0 : i32
      %dma_start3A_145 = tpu.memref_slice %arg14[%add3A_143, %dma_start3A_144] : memref<10240x64xf32, #tpu.memory_space<vmem_shared>> -> memref<64x64xf32, #tpu.memory_space<vmem_shared>>
      %dma_start3A_146 = arith.constant 0 : i32
      %dma_start3A_147 = tpu.memref_slice %arg14[%add3A_143, %dma_start3A_146] : memref<10240x64xf32, #tpu.memory_space<vmem_shared>> -> memref<64x64xf32, #tpu.memory_space<vmem_shared>>
      tpu.enqueue_dma source(%arg10 : memref<64x64xf32, #tpu.memory_space<vmem>>) target(%dma_start3A_147 : memref<64x64xf32, #tpu.memory_space<vmem_shared>>) target_semaphore(%arg15 : memref<!tpu.dma_semaphore, #tpu.memory_space<semaphore_mem>>)
      %scan3A_148 = arith.constant 0 : i32
      scf.yield %scan3A_148 : i32
    }
    %scan3A_28 = arith.constant 10 : i32
    %scan3A_29 = arith.constant 0 : i32
    %scan3A_30 = arith.constant 0 : i32
    %scan3A_31 = arith.constant 10 : i32
    %scan3A_32 = arith.addi %scan3A_30, %scan3A_31 : i32
    %scan3A_33 = arith.constant 1 : i32
    %scan3A_34 = scf.for %scan3A_139 = %scan3A_30 to %scan3A_32 step %scan3A_33 iter_args(%scan3A_140 = %scan3A_29) -> (i32)  : i32 {
      %mul3A_141 = arith.constant 64 : i32
      %mul3A_142 = arith.muli %scan3A_139, %mul3A_141 : i32
      %add3A_143 = arith.addi %mul3A_6, %mul3A_142 : i32
      %dma_wait3A_144 = arith.constant 0 : i32
      %dma_wait3A_145 = tpu.memref_slice %arg14[%add3A_143, %dma_wait3A_144] : memref<10240x64xf32, #tpu.memory_space<vmem_shared>> -> memref<64x64xf32, #tpu.memory_space<vmem_shared>>
      %dma_wait3A_146 = arith.constant 0 : i32
      %dma_wait3A_147 = tpu.memref_slice %arg14[%add3A_143, %dma_wait3A_146] : memref<10240x64xf32, #tpu.memory_space<vmem_shared>> -> memref<64x64xf32, #tpu.memory_space<vmem_shared>>
      tpu.wait_dma2 semaphore(%arg15 : memref<!tpu.dma_semaphore, #tpu.memory_space<semaphore_mem>>) src(%arg10 : memref<64x64xf32, #tpu.memory_space<vmem>>) dst(%dma_wait3A_147 : memref<64x64xf32, #tpu.memory_space<vmem_shared>>)
      %scan3A_148 = arith.constant 0 : i32
      scf.yield %scan3A_148 : i32
    }
    %scan3A_35 = arith.constant 10 : i32
    %dma_wait3A = arith.constant 0 : i32
    %dma_wait3A_36 = tpu.memref_slice %arg13[%mul3A_6, %dma_wait3A] : memref<10240x64xf32, #tpu.memory_space<vmem_shared>> -> memref<640x64xf32, #tpu.memory_space<vmem_shared>>
    %dma_wait3A_37 = arith.constant 0 : i32
    %dma_wait3A_38 = tpu.memref_slice %arg2[%mul3A_6, %dma_wait3A_37] : memref<10240x64xf32, #tpu.memory_space<hbm>> -> memref<640x64xf32, #tpu.memory_space<hbm>>
    tpu.wait_dma2 semaphore(%arg16 : memref<!tpu.dma_semaphore, #tpu.memory_space<semaphore_mem>>) src(%dma_wait3A_38 : memref<640x64xf32, #tpu.memory_space<hbm>>) dst(%dma_wait3A_36 : memref<640x64xf32, #tpu.memory_space<vmem_shared>>)
    %dma_wait3A_39 = arith.constant 0 : i32
    %dma_wait3A_40 = tpu.memref_slice %arg5[%mul3A_10, %dma_wait3A_39] : memref<1280x128xi32, #tpu.memory_space<hbm>> -> memref<40x128xi32, #tpu.memory_space<hbm>>
    %dma_wait3A_41 = arith.constant 0 : i32
    %dma_wait3A_42 = tpu.memref_slice %arg5[%mul3A_10, %dma_wait3A_41] : memref<1280x128xi32, #tpu.memory_space<hbm>> -> memref<40x128xi32, #tpu.memory_space<hbm>>
    tpu.wait_dma2 semaphore(%arg17 : memref<!tpu.dma_semaphore, #tpu.memory_space<semaphore_mem>>) src(%dma_wait3A_42 : memref<40x128xi32, #tpu.memory_space<hbm>>) dst(%arg9 : memref<40x128xi32, #tpu.memory_space<vmem>>)
    %dma_wait3A_43 = arith.constant 0 : i32
    %dma_wait3A_44 = tpu.memref_slice %arg4[%mul3A_10, %dma_wait3A_43] : memref<1280x128xi32, #tpu.memory_space<hbm>> -> memref<40x128xi32, #tpu.memory_space<hbm>>
    %dma_wait3A_45 = arith.constant 0 : i32
    %dma_wait3A_46 = tpu.memref_slice %arg4[%mul3A_10, %dma_wait3A_45] : memref<1280x128xi32, #tpu.memory_space<hbm>> -> memref<40x128xi32, #tpu.memory_space<hbm>>
    tpu.wait_dma2 semaphore(%arg18 : memref<!tpu.dma_semaphore, #tpu.memory_space<semaphore_mem>>) src(%dma_wait3A_46 : memref<40x128xi32, #tpu.memory_space<hbm>>) dst(%arg8 : memref<40x128xi32, #tpu.memory_space<vmem>>)
    %barrier3A = arith.constant 0 : index
    tpu.barrier barrier_id(%barrier3A)
    %dma_start3A_47 = arith.constant 0 : i32
    %dma_start3A_48 = arith.constant 0 : i32
    %dma_start3A_49 = tpu.memref_slice %arg8[%dma_start3A_47, %dma_start3A_48] : memref<40x128xi32, #tpu.memory_space<vmem>> -> memref<1x128xi32, #tpu.memory_space<vmem>>
    %dma_start3A_50 = tpu.memref_squeeze %dma_start3A_49 : memref<1x128xi32, #tpu.memory_space<vmem>> -> memref<128xi32, #tpu.memory_space<vmem>>
    %dma_start3A_51 = arith.constant 0 : i32
    %dma_start3A_52 = arith.constant 0 : i32
    %dma_start3A_53 = tpu.memref_slice %arg13[%dma_start3A_51, %dma_start3A_52] : memref<10240x64xf32, #tpu.memory_space<vmem_shared>> -> memref<10240x64xf32, #tpu.memory_space<vmem_shared>>
    tpu.enqueue_indirect_dma source(%dma_start3A_53 : memref<10240x64xf32, #tpu.memory_space<vmem_shared>>) target(%arg11 : memref<128x64xf32, #tpu.memory_space<vmem>>) offsets(%dma_start3A_50 : memref<128xi32, #tpu.memory_space<vmem>>) semaphore(%arg15 : memref<!tpu.dma_semaphore, #tpu.memory_space<semaphore_mem>>)
    %dma_start3A_54 = arith.constant 1 : i32
    %dma_start3A_55 = arith.constant 0 : i32
    %dma_start3A_56 = tpu.memref_slice %arg8[%dma_start3A_54, %dma_start3A_55] : memref<40x128xi32, #tpu.memory_space<vmem>> -> memref<1x128xi32, #tpu.memory_space<vmem>>
    %dma_start3A_57 = tpu.memref_squeeze %dma_start3A_56 : memref<1x128xi32, #tpu.memory_space<vmem>> -> memref<128xi32, #tpu.memory_space<vmem>>
    %dma_start3A_58 = arith.constant 0 : i32
    %dma_start3A_59 = arith.constant 0 : i32
    %dma_start3A_60 = tpu.memref_slice %arg13[%dma_start3A_58, %dma_start3A_59] : memref<10240x64xf32, #tpu.memory_space<vmem_shared>> -> memref<10240x64xf32, #tpu.memory_space<vmem_shared>>
    tpu.enqueue_indirect_dma source(%dma_start3A_60 : memref<10240x64xf32, #tpu.memory_space<vmem_shared>>) target(%arg12 : memref<128x64xf32, #tpu.memory_space<vmem>>) offsets(%dma_start3A_57 : memref<128xi32, #tpu.memory_space<vmem>>) semaphore(%arg16 : memref<!tpu.dma_semaphore, #tpu.memory_space<semaphore_mem>>)
    %scan3A_61 = arith.constant 0 : i32
    %scan3A_62 = arith.constant 0 : i32
    %scan3A_63 = arith.constant 20 : i32
    %scan3A_64 = arith.addi %scan3A_62, %scan3A_63 : i32
    %scan3A_65 = arith.constant 1 : i32
    %scan3A_66 = scf.for %scan3A_139 = %scan3A_62 to %scan3A_64 step %scan3A_65 iter_args(%scan3A_140 = %scan3A_61) -> (i32)  : i32 {
      %mul3A_141 = arith.constant 2 : i32
      %mul3A_142 = arith.muli %mul3A_141, %scan3A_139 : i32
      %dma_wait3A_143 = arith.constant 0 : i32
      %dma_wait3A_144 = tpu.memref_slice %arg8[%mul3A_142, %dma_wait3A_143] : memref<40x128xi32, #tpu.memory_space<vmem>> -> memref<1x128xi32, #tpu.memory_space<vmem>>
      %dma_wait3A_145 = tpu.memref_squeeze %dma_wait3A_144 : memref<1x128xi32, #tpu.memory_space<vmem>> -> memref<128xi32, #tpu.memory_space<vmem>>
      %dma_wait3A_146 = arith.constant 0 : i32
      %dma_wait3A_147 = arith.constant 0 : i32
      %dma_wait3A_148 = tpu.memref_slice %arg13[%dma_wait3A_146, %dma_wait3A_147] : memref<10240x64xf32, #tpu.memory_space<vmem_shared>> -> memref<10240x64xf32, #tpu.memory_space<vmem_shared>>
      tpu.wait_indirect_dma semaphore(%arg15 : memref<!tpu.dma_semaphore, #tpu.memory_space<semaphore_mem>>) src(%dma_wait3A_148 : memref<10240x64xf32, #tpu.memory_space<vmem_shared>>) dst(%arg11 : memref<128x64xf32, #tpu.memory_space<vmem>>)
      "tpu.region"() ({
        %run_scoped3A = tpu.sem_alloc : memref<!tpu.dma_semaphore, #tpu.memory_space<semaphore_mem>>
        %dma_start3A_161 = arith.constant 0 : i32
        %dma_start3A_162 = tpu.memref_slice %arg9[%mul3A_142, %dma_start3A_161] : memref<40x128xi32, #tpu.memory_space<vmem>> -> memref<1x128xi32, #tpu.memory_space<vmem>>
        %dma_start3A_163 = tpu.memref_squeeze %dma_start3A_162 : memref<1x128xi32, #tpu.memory_space<vmem>> -> memref<128xi32, #tpu.memory_space<vmem>>
        %dma_start3A_164 = arith.constant 0 : i32
        %dma_start3A_165 = arith.constant 0 : i32
        %dma_start3A_166 = tpu.memref_slice %arg14[%dma_start3A_164, %dma_start3A_165] : memref<10240x64xf32, #tpu.memory_space<vmem_shared>> -> memref<10240x64xf32, #tpu.memory_space<vmem_shared>>
        tpu.enqueue_indirect_dma source(%arg11 : memref<128x64xf32, #tpu.memory_space<vmem>>) target(%dma_start3A_166 : memref<10240x64xf32, #tpu.memory_space<vmem_shared>>) offsets(%dma_start3A_163 : memref<128xi32, #tpu.memory_space<vmem>>) semaphore(%run_scoped3A : memref<!tpu.dma_semaphore, #tpu.memory_space<semaphore_mem>>) {add = true}
        %dma_wait3A_167 = arith.constant 0 : i32
        %dma_wait3A_168 = tpu.memref_slice %arg9[%mul3A_142, %dma_wait3A_167] : memref<40x128xi32, #tpu.memory_space<vmem>> -> memref<1x128xi32, #tpu.memory_space<vmem>>
        %dma_wait3A_169 = tpu.memref_squeeze %dma_wait3A_168 : memref<1x128xi32, #tpu.memory_space<vmem>> -> memref<128xi32, #tpu.memory_space<vmem>>
        %dma_wait3A_170 = arith.constant 0 : i32
        %dma_wait3A_171 = arith.constant 0 : i32
        %dma_wait3A_172 = tpu.memref_slice %arg14[%dma_wait3A_170, %dma_wait3A_171] : memref<10240x64xf32, #tpu.memory_space<vmem_shared>> -> memref<10240x64xf32, #tpu.memory_space<vmem_shared>>
        tpu.wait_indirect_dma semaphore(%run_scoped3A : memref<!tpu.dma_semaphore, #tpu.memory_space<semaphore_mem>>) src(%arg11 : memref<128x64xf32, #tpu.memory_space<vmem>>) dst(%dma_wait3A_172 : memref<10240x64xf32, #tpu.memory_space<vmem_shared>>)
        tpu.yield
      }) : () -> ()
      %add3A_149 = arith.constant 2 : i32
      %add3A_150 = arith.addi %mul3A_142, %add3A_149 : i32
      %lt3A = arith.constant 40 : i32
      %lt3A_151 = arith.cmpi slt, %add3A_150, %lt3A : i32
      %convert_element_type3A = arith.extui %lt3A_151 : i1 to i32
      %cond3A = arith.constant 0 : i32
      %cond3A_152 = arith.cmpi ne, %convert_element_type3A, %cond3A : i32
      scf.if %cond3A_152 {
        %add3A_161 = arith.constant 2 : i32
        %add3A_162 = arith.addi %mul3A_142, %add3A_161 : i32
        %dma_start3A_163 = arith.constant 0 : i32
        %dma_start3A_164 = tpu.memref_slice %arg8[%add3A_162, %dma_start3A_163] : memref<40x128xi32, #tpu.memory_space<vmem>> -> memref<1x128xi32, #tpu.memory_space<vmem>>
        %dma_start3A_165 = tpu.memref_squeeze %dma_start3A_164 : memref<1x128xi32, #tpu.memory_space<vmem>> -> memref<128xi32, #tpu.memory_space<vmem>>
        %dma_start3A_166 = arith.constant 0 : i32
        %dma_start3A_167 = arith.constant 0 : i32
        %dma_start3A_168 = tpu.memref_slice %arg13[%dma_start3A_166, %dma_start3A_167] : memref<10240x64xf32, #tpu.memory_space<vmem_shared>> -> memref<10240x64xf32, #tpu.memory_space<vmem_shared>>
        tpu.enqueue_indirect_dma source(%dma_start3A_168 : memref<10240x64xf32, #tpu.memory_space<vmem_shared>>) target(%arg11 : memref<128x64xf32, #tpu.memory_space<vmem>>) offsets(%dma_start3A_165 : memref<128xi32, #tpu.memory_space<vmem>>) semaphore(%arg15 : memref<!tpu.dma_semaphore, #tpu.memory_space<semaphore_mem>>)
      } else {
      }
      %add3A_153 = arith.constant 1 : i32
      %add3A_154 = arith.addi %mul3A_142, %add3A_153 : i32
      %lt3A_155 = arith.constant 40 : i32
      %lt3A_156 = arith.cmpi slt, %add3A_154, %lt3A_155 : i32
      %convert_element_type3A_157 = arith.extui %lt3A_156 : i1 to i32
      %cond3A_158 = arith.constant 0 : i32
      %cond3A_159 = arith.cmpi ne, %convert_element_type3A_157, %cond3A_158 : i32
      scf.if %cond3A_159 {
        %add3A_161 = arith.constant 1 : i32
        %add3A_162 = arith.addi %mul3A_142, %add3A_161 : i32
        %dma_wait3A_163 = arith.constant 0 : i32
        %dma_wait3A_164 = tpu.memref_slice %arg8[%add3A_162, %dma_wait3A_163] : memref<40x128xi32, #tpu.memory_space<vmem>> -> memref<1x128xi32, #tpu.memory_space<vmem>>
        %dma_wait3A_165 = tpu.memref_squeeze %dma_wait3A_164 : memref<1x128xi32, #tpu.memory_space<vmem>> -> memref<128xi32, #tpu.memory_space<vmem>>
        %dma_wait3A_166 = arith.constant 0 : i32
        %dma_wait3A_167 = arith.constant 0 : i32
        %dma_wait3A_168 = tpu.memref_slice %arg13[%dma_wait3A_166, %dma_wait3A_167] : memref<10240x64xf32, #tpu.memory_space<vmem_shared>> -> memref<10240x64xf32, #tpu.memory_space<vmem_shared>>
        tpu.wait_indirect_dma semaphore(%arg16 : memref<!tpu.dma_semaphore, #tpu.memory_space<semaphore_mem>>) src(%dma_wait3A_168 : memref<10240x64xf32, #tpu.memory_space<vmem_shared>>) dst(%arg12 : memref<128x64xf32, #tpu.memory_space<vmem>>)
        %add3A_169 = arith.constant 1 : i32
        %add3A_170 = arith.addi %mul3A_142, %add3A_169 : i32
        "tpu.region"() ({
          %run_scoped3A = tpu.sem_alloc : memref<!tpu.dma_semaphore, #tpu.memory_space<semaphore_mem>>
          %dma_start3A_178 = arith.constant 0 : i32
          %dma_start3A_179 = tpu.memref_slice %arg9[%add3A_170, %dma_start3A_178] : memref<40x128xi32, #tpu.memory_space<vmem>> -> memref<1x128xi32, #tpu.memory_space<vmem>>
          %dma_start3A_180 = tpu.memref_squeeze %dma_start3A_179 : memref<1x128xi32, #tpu.memory_space<vmem>> -> memref<128xi32, #tpu.memory_space<vmem>>
          %dma_start3A_181 = arith.constant 0 : i32
          %dma_start3A_182 = arith.constant 0 : i32
          %dma_start3A_183 = tpu.memref_slice %arg14[%dma_start3A_181, %dma_start3A_182] : memref<10240x64xf32, #tpu.memory_space<vmem_shared>> -> memref<10240x64xf32, #tpu.memory_space<vmem_shared>>
          tpu.enqueue_indirect_dma source(%arg12 : memref<128x64xf32, #tpu.memory_space<vmem>>) target(%dma_start3A_183 : memref<10240x64xf32, #tpu.memory_space<vmem_shared>>) offsets(%dma_start3A_180 : memref<128xi32, #tpu.memory_space<vmem>>) semaphore(%run_scoped3A : memref<!tpu.dma_semaphore, #tpu.memory_space<semaphore_mem>>) {add = true}
          %dma_wait3A_184 = arith.constant 0 : i32
          %dma_wait3A_185 = tpu.memref_slice %arg9[%add3A_170, %dma_wait3A_184] : memref<40x128xi32, #tpu.memory_space<vmem>> -> memref<1x128xi32, #tpu.memory_space<vmem>>
          %dma_wait3A_186 = tpu.memref_squeeze %dma_wait3A_185 : memref<1x128xi32, #tpu.memory_space<vmem>> -> memref<128xi32, #tpu.memory_space<vmem>>
          %dma_wait3A_187 = arith.constant 0 : i32
          %dma_wait3A_188 = arith.constant 0 : i32
          %dma_wait3A_189 = tpu.memref_slice %arg14[%dma_wait3A_187, %dma_wait3A_188] : memref<10240x64xf32, #tpu.memory_space<vmem_shared>> -> memref<10240x64xf32, #tpu.memory_space<vmem_shared>>
          tpu.wait_indirect_dma semaphore(%run_scoped3A : memref<!tpu.dma_semaphore, #tpu.memory_space<semaphore_mem>>) src(%arg12 : memref<128x64xf32, #tpu.memory_space<vmem>>) dst(%dma_wait3A_189 : memref<10240x64xf32, #tpu.memory_space<vmem_shared>>)
          tpu.yield
        }) : () -> ()
        %add3A_171 = arith.constant 3 : i32
        %add3A_172 = arith.addi %mul3A_142, %add3A_171 : i32
        %lt3A_173 = arith.constant 40 : i32
        %lt3A_174 = arith.cmpi slt, %add3A_172, %lt3A_173 : i32
        %convert_element_type3A_175 = arith.extui %lt3A_174 : i1 to i32
        %cond3A_176 = arith.constant 0 : i32
        %cond3A_177 = arith.cmpi ne, %convert_element_type3A_175, %cond3A_176 : i32
        scf.if %cond3A_177 {
          %add3A_178 = arith.constant 3 : i32
          %add3A_179 = arith.addi %mul3A_142, %add3A_178 : i32
          %dma_start3A_180 = arith.constant 0 : i32
          %dma_start3A_181 = tpu.memref_slice %arg8[%add3A_179, %dma_start3A_180] : memref<40x128xi32, #tpu.memory_space<vmem>> -> memref<1x128xi32, #tpu.memory_space<vmem>>
          %dma_start3A_182 = tpu.memref_squeeze %dma_start3A_181 : memref<1x128xi32, #tpu.memory_space<vmem>> -> memref<128xi32, #tpu.memory_space<vmem>>
          %dma_start3A_183 = arith.constant 0 : i32
          %dma_start3A_184 = arith.constant 0 : i32
          %dma_start3A_185 = tpu.memref_slice %arg13[%dma_start3A_183, %dma_start3A_184] : memref<10240x64xf32, #tpu.memory_space<vmem_shared>> -> memref<10240x64xf32, #tpu.memory_space<vmem_shared>>
          tpu.enqueue_indirect_dma source(%dma_start3A_185 : memref<10240x64xf32, #tpu.memory_space<vmem_shared>>) target(%arg12 : memref<128x64xf32, #tpu.memory_space<vmem>>) offsets(%dma_start3A_182 : memref<128xi32, #tpu.memory_space<vmem>>) semaphore(%arg16 : memref<!tpu.dma_semaphore, #tpu.memory_space<semaphore_mem>>)
        } else {
        }
      } else {
      }
      %scan3A_160 = arith.constant 0 : i32
      scf.yield %scan3A_160 : i32
    }
    %scan3A_67 = arith.constant 20 : i32
    %barrier3A_68 = arith.constant 0 : index
    tpu.barrier barrier_id(%barrier3A_68)
    %mul3A_69 = arith.constant 10240 : i32
    %mul3A_70 = arith.muli %arg0, %mul3A_69 : i32
    %add3A_71 = arith.addi %mul3A_70, %mul3A_6 : i32
    %dma_start3A_72 = arith.constant 0 : i32
    %dma_start3A_73 = tpu.memref_slice %arg6[%add3A_71, %dma_start3A_72] : memref<20480x64xf32, #tpu.memory_space<hbm>> -> memref<640x64xf32, #tpu.memory_space<hbm>>
    %dma_start3A_74 = arith.constant 0 : i32
    %dma_start3A_75 = tpu.memref_slice %arg14[%mul3A_6, %dma_start3A_74] : memref<10240x64xf32, #tpu.memory_space<vmem_shared>> -> memref<640x64xf32, #tpu.memory_space<vmem_shared>>
    tpu.enqueue_dma source(%dma_start3A_75 : memref<640x64xf32, #tpu.memory_space<vmem_shared>>) target(%dma_start3A_73 : memref<640x64xf32, #tpu.memory_space<hbm>>) target_semaphore(%arg17 : memref<!tpu.dma_semaphore, #tpu.memory_space<semaphore_mem>>)
    %dma_start3A_76 = arith.constant 0 : i32
    %dma_start3A_77 = tpu.memref_slice %arg13[%mul3A_6, %dma_start3A_76] : memref<10240x64xf32, #tpu.memory_space<vmem_shared>> -> memref<640x64xf32, #tpu.memory_space<vmem_shared>>
    %dma_start3A_78 = arith.constant 0 : i32
    %dma_start3A_79 = tpu.memref_slice %arg3[%mul3A_6, %dma_start3A_78] : memref<10240x64xf32, #tpu.memory_space<hbm>> -> memref<640x64xf32, #tpu.memory_space<hbm>>
    tpu.enqueue_dma source(%dma_start3A_79 : memref<640x64xf32, #tpu.memory_space<hbm>>) target(%dma_start3A_77 : memref<640x64xf32, #tpu.memory_space<vmem_shared>>) target_semaphore(%arg16 : memref<!tpu.dma_semaphore, #tpu.memory_space<semaphore_mem>>)
    %dma_wait3A_80 = arith.constant 0 : i32
    %dma_wait3A_81 = tpu.memref_slice %arg6[%add3A_71, %dma_wait3A_80] : memref<20480x64xf32, #tpu.memory_space<hbm>> -> memref<640x64xf32, #tpu.memory_space<hbm>>
    %dma_wait3A_82 = arith.constant 0 : i32
    %dma_wait3A_83 = tpu.memref_slice %arg14[%mul3A_6, %dma_wait3A_82] : memref<10240x64xf32, #tpu.memory_space<vmem_shared>> -> memref<640x64xf32, #tpu.memory_space<vmem_shared>>
    tpu.wait_dma2 semaphore(%arg17 : memref<!tpu.dma_semaphore, #tpu.memory_space<semaphore_mem>>) src(%dma_wait3A_83 : memref<640x64xf32, #tpu.memory_space<vmem_shared>>) dst(%dma_wait3A_81 : memref<640x64xf32, #tpu.memory_space<hbm>>)
    %scan3A_84 = arith.constant 0 : i32
    %scan3A_85 = arith.constant 0 : i32
    %scan3A_86 = arith.constant 10 : i32
    %scan3A_87 = arith.addi %scan3A_85, %scan3A_86 : i32
    %scan3A_88 = arith.constant 1 : i32
    %scan3A_89 = scf.for %scan3A_139 = %scan3A_85 to %scan3A_87 step %scan3A_88 iter_args(%scan3A_140 = %scan3A_84) -> (i32)  : i32 {
      %mul3A_141 = arith.constant 64 : i32
      %mul3A_142 = arith.muli %scan3A_139, %mul3A_141 : i32
      %add3A_143 = arith.addi %mul3A_6, %mul3A_142 : i32
      %dma_start3A_144 = arith.constant 0 : i32
      %dma_start3A_145 = tpu.memref_slice %arg14[%add3A_143, %dma_start3A_144] : memref<10240x64xf32, #tpu.memory_space<vmem_shared>> -> memref<64x64xf32, #tpu.memory_space<vmem_shared>>
      %dma_start3A_146 = arith.constant 0 : i32
      %dma_start3A_147 = tpu.memref_slice %arg14[%add3A_143, %dma_start3A_146] : memref<10240x64xf32, #tpu.memory_space<vmem_shared>> -> memref<64x64xf32, #tpu.memory_space<vmem_shared>>
      tpu.enqueue_dma source(%arg10 : memref<64x64xf32, #tpu.memory_space<vmem>>) target(%dma_start3A_147 : memref<64x64xf32, #tpu.memory_space<vmem_shared>>) target_semaphore(%arg15 : memref<!tpu.dma_semaphore, #tpu.memory_space<semaphore_mem>>)
      %scan3A_148 = arith.constant 0 : i32
      scf.yield %scan3A_148 : i32
    }
    %scan3A_90 = arith.constant 10 : i32
    %scan3A_91 = arith.constant 0 : i32
    %scan3A_92 = arith.constant 0 : i32
    %scan3A_93 = arith.constant 10 : i32
    %scan3A_94 = arith.addi %scan3A_92, %scan3A_93 : i32
    %scan3A_95 = arith.constant 1 : i32
    %scan3A_96 = scf.for %scan3A_139 = %scan3A_92 to %scan3A_94 step %scan3A_95 iter_args(%scan3A_140 = %scan3A_91) -> (i32)  : i32 {
      %mul3A_141 = arith.constant 64 : i32
      %mul3A_142 = arith.muli %scan3A_139, %mul3A_141 : i32
      %add3A_143 = arith.addi %mul3A_6, %mul3A_142 : i32
      %dma_wait3A_144 = arith.constant 0 : i32
      %dma_wait3A_145 = tpu.memref_slice %arg14[%add3A_143, %dma_wait3A_144] : memref<10240x64xf32, #tpu.memory_space<vmem_shared>> -> memref<64x64xf32, #tpu.memory_space<vmem_shared>>
      %dma_wait3A_146 = arith.constant 0 : i32
      %dma_wait3A_147 = tpu.memref_slice %arg14[%add3A_143, %dma_wait3A_146] : memref<10240x64xf32, #tpu.memory_space<vmem_shared>> -> memref<64x64xf32, #tpu.memory_space<vmem_shared>>
      tpu.wait_dma2 semaphore(%arg15 : memref<!tpu.dma_semaphore, #tpu.memory_space<semaphore_mem>>) src(%arg10 : memref<64x64xf32, #tpu.memory_space<vmem>>) dst(%dma_wait3A_147 : memref<64x64xf32, #tpu.memory_space<vmem_shared>>)
      %scan3A_148 = arith.constant 0 : i32
      scf.yield %scan3A_148 : i32
    }
    %scan3A_97 = arith.constant 10 : i32
    %dma_wait3A_98 = arith.constant 0 : i32
    %dma_wait3A_99 = tpu.memref_slice %arg13[%mul3A_6, %dma_wait3A_98] : memref<10240x64xf32, #tpu.memory_space<vmem_shared>> -> memref<640x64xf32, #tpu.memory_space<vmem_shared>>
    %dma_wait3A_100 = arith.constant 0 : i32
    %dma_wait3A_101 = tpu.memref_slice %arg3[%mul3A_6, %dma_wait3A_100] : memref<10240x64xf32, #tpu.memory_space<hbm>> -> memref<640x64xf32, #tpu.memory_space<hbm>>
    tpu.wait_dma2 semaphore(%arg16 : memref<!tpu.dma_semaphore, #tpu.memory_space<semaphore_mem>>) src(%dma_wait3A_101 : memref<640x64xf32, #tpu.memory_space<hbm>>) dst(%dma_wait3A_99 : memref<640x64xf32, #tpu.memory_space<vmem_shared>>)
    %barrier3A_102 = arith.constant 0 : index
    tpu.barrier barrier_id(%barrier3A_102)
    %dma_start3A_103 = arith.constant 0 : i32
    %dma_start3A_104 = arith.constant 0 : i32
    %dma_start3A_105 = tpu.memref_slice %arg8[%dma_start3A_103, %dma_start3A_104] : memref<40x128xi32, #tpu.memory_space<vmem>> -> memref<1x128xi32, #tpu.memory_space<vmem>>
    %dma_start3A_106 = tpu.memref_squeeze %dma_start3A_105 : memref<1x128xi32, #tpu.memory_space<vmem>> -> memref<128xi32, #tpu.memory_space<vmem>>
    %dma_start3A_107 = arith.constant 0 : i32
    %dma_start3A_108 = arith.constant 0 : i32
    %dma_start3A_109 = tpu.memref_slice %arg13[%dma_start3A_107, %dma_start3A_108] : memref<10240x64xf32, #tpu.memory_space<vmem_shared>> -> memref<10240x64xf32, #tpu.memory_space<vmem_shared>>
    tpu.enqueue_indirect_dma source(%dma_start3A_109 : memref<10240x64xf32, #tpu.memory_space<vmem_shared>>) target(%arg11 : memref<128x64xf32, #tpu.memory_space<vmem>>) offsets(%dma_start3A_106 : memref<128xi32, #tpu.memory_space<vmem>>) semaphore(%arg15 : memref<!tpu.dma_semaphore, #tpu.memory_space<semaphore_mem>>)
    %dma_start3A_110 = arith.constant 1 : i32
    %dma_start3A_111 = arith.constant 0 : i32
    %dma_start3A_112 = tpu.memref_slice %arg8[%dma_start3A_110, %dma_start3A_111] : memref<40x128xi32, #tpu.memory_space<vmem>> -> memref<1x128xi32, #tpu.memory_space<vmem>>
    %dma_start3A_113 = tpu.memref_squeeze %dma_start3A_112 : memref<1x128xi32, #tpu.memory_space<vmem>> -> memref<128xi32, #tpu.memory_space<vmem>>
    %dma_start3A_114 = arith.constant 0 : i32
    %dma_start3A_115 = arith.constant 0 : i32
    %dma_start3A_116 = tpu.memref_slice %arg13[%dma_start3A_114, %dma_start3A_115] : memref<10240x64xf32, #tpu.memory_space<vmem_shared>> -> memref<10240x64xf32, #tpu.memory_space<vmem_shared>>
    tpu.enqueue_indirect_dma source(%dma_start3A_116 : memref<10240x64xf32, #tpu.memory_space<vmem_shared>>) target(%arg12 : memref<128x64xf32, #tpu.memory_space<vmem>>) offsets(%dma_start3A_113 : memref<128xi32, #tpu.memory_space<vmem>>) semaphore(%arg16 : memref<!tpu.dma_semaphore, #tpu.memory_space<semaphore_mem>>)
    %scan3A_117 = arith.constant 0 : i32
    %scan3A_118 = arith.constant 0 : i32
    %scan3A_119 = arith.constant 20 : i32
    %scan3A_120 = arith.addi %scan3A_118, %scan3A_119 : i32
    %scan3A_121 = arith.constant 1 : i32
    %scan3A_122 = scf.for %scan3A_139 = %scan3A_118 to %scan3A_120 step %scan3A_121 iter_args(%scan3A_140 = %scan3A_117) -> (i32)  : i32 {
      %mul3A_141 = arith.constant 2 : i32
      %mul3A_142 = arith.muli %mul3A_141, %scan3A_139 : i32
      %dma_wait3A_143 = arith.constant 0 : i32
      %dma_wait3A_144 = tpu.memref_slice %arg8[%mul3A_142, %dma_wait3A_143] : memref<40x128xi32, #tpu.memory_space<vmem>> -> memref<1x128xi32, #tpu.memory_space<vmem>>
      %dma_wait3A_145 = tpu.memref_squeeze %dma_wait3A_144 : memref<1x128xi32, #tpu.memory_space<vmem>> -> memref<128xi32, #tpu.memory_space<vmem>>
      %dma_wait3A_146 = arith.constant 0 : i32
      %dma_wait3A_147 = arith.constant 0 : i32
      %dma_wait3A_148 = tpu.memref_slice %arg13[%dma_wait3A_146, %dma_wait3A_147] : memref<10240x64xf32, #tpu.memory_space<vmem_shared>> -> memref<10240x64xf32, #tpu.memory_space<vmem_shared>>
      tpu.wait_indirect_dma semaphore(%arg15 : memref<!tpu.dma_semaphore, #tpu.memory_space<semaphore_mem>>) src(%dma_wait3A_148 : memref<10240x64xf32, #tpu.memory_space<vmem_shared>>) dst(%arg11 : memref<128x64xf32, #tpu.memory_space<vmem>>)
      "tpu.region"() ({
        %run_scoped3A = tpu.sem_alloc : memref<!tpu.dma_semaphore, #tpu.memory_space<semaphore_mem>>
        %dma_start3A_161 = arith.constant 0 : i32
        %dma_start3A_162 = tpu.memref_slice %arg9[%mul3A_142, %dma_start3A_161] : memref<40x128xi32, #tpu.memory_space<vmem>> -> memref<1x128xi32, #tpu.memory_space<vmem>>
        %dma_start3A_163 = tpu.memref_squeeze %dma_start3A_162 : memref<1x128xi32, #tpu.memory_space<vmem>> -> memref<128xi32, #tpu.memory_space<vmem>>
        %dma_start3A_164 = arith.constant 0 : i32
        %dma_start3A_165 = arith.constant 0 : i32
        %dma_start3A_166 = tpu.memref_slice %arg14[%dma_start3A_164, %dma_start3A_165] : memref<10240x64xf32, #tpu.memory_space<vmem_shared>> -> memref<10240x64xf32, #tpu.memory_space<vmem_shared>>
        tpu.enqueue_indirect_dma source(%arg11 : memref<128x64xf32, #tpu.memory_space<vmem>>) target(%dma_start3A_166 : memref<10240x64xf32, #tpu.memory_space<vmem_shared>>) offsets(%dma_start3A_163 : memref<128xi32, #tpu.memory_space<vmem>>) semaphore(%run_scoped3A : memref<!tpu.dma_semaphore, #tpu.memory_space<semaphore_mem>>) {add = true}
        %dma_wait3A_167 = arith.constant 0 : i32
        %dma_wait3A_168 = tpu.memref_slice %arg9[%mul3A_142, %dma_wait3A_167] : memref<40x128xi32, #tpu.memory_space<vmem>> -> memref<1x128xi32, #tpu.memory_space<vmem>>
        %dma_wait3A_169 = tpu.memref_squeeze %dma_wait3A_168 : memref<1x128xi32, #tpu.memory_space<vmem>> -> memref<128xi32, #tpu.memory_space<vmem>>
        %dma_wait3A_170 = arith.constant 0 : i32
        %dma_wait3A_171 = arith.constant 0 : i32
        %dma_wait3A_172 = tpu.memref_slice %arg14[%dma_wait3A_170, %dma_wait3A_171] : memref<10240x64xf32, #tpu.memory_space<vmem_shared>> -> memref<10240x64xf32, #tpu.memory_space<vmem_shared>>
        tpu.wait_indirect_dma semaphore(%run_scoped3A : memref<!tpu.dma_semaphore, #tpu.memory_space<semaphore_mem>>) src(%arg11 : memref<128x64xf32, #tpu.memory_space<vmem>>) dst(%dma_wait3A_172 : memref<10240x64xf32, #tpu.memory_space<vmem_shared>>)
        tpu.yield
      }) : () -> ()
      %add3A_149 = arith.constant 2 : i32
      %add3A_150 = arith.addi %mul3A_142, %add3A_149 : i32
      %lt3A = arith.constant 40 : i32
      %lt3A_151 = arith.cmpi slt, %add3A_150, %lt3A : i32
      %convert_element_type3A = arith.extui %lt3A_151 : i1 to i32
      %cond3A = arith.constant 0 : i32
      %cond3A_152 = arith.cmpi ne, %convert_element_type3A, %cond3A : i32
      scf.if %cond3A_152 {
        %add3A_161 = arith.constant 2 : i32
        %add3A_162 = arith.addi %mul3A_142, %add3A_161 : i32
        %dma_start3A_163 = arith.constant 0 : i32
        %dma_start3A_164 = tpu.memref_slice %arg8[%add3A_162, %dma_start3A_163] : memref<40x128xi32, #tpu.memory_space<vmem>> -> memref<1x128xi32, #tpu.memory_space<vmem>>
        %dma_start3A_165 = tpu.memref_squeeze %dma_start3A_164 : memref<1x128xi32, #tpu.memory_space<vmem>> -> memref<128xi32, #tpu.memory_space<vmem>>
        %dma_start3A_166 = arith.constant 0 : i32
        %dma_start3A_167 = arith.constant 0 : i32
        %dma_start3A_168 = tpu.memref_slice %arg13[%dma_start3A_166, %dma_start3A_167] : memref<10240x64xf32, #tpu.memory_space<vmem_shared>> -> memref<10240x64xf32, #tpu.memory_space<vmem_shared>>
        tpu.enqueue_indirect_dma source(%dma_start3A_168 : memref<10240x64xf32, #tpu.memory_space<vmem_shared>>) target(%arg11 : memref<128x64xf32, #tpu.memory_space<vmem>>) offsets(%dma_start3A_165 : memref<128xi32, #tpu.memory_space<vmem>>) semaphore(%arg15 : memref<!tpu.dma_semaphore, #tpu.memory_space<semaphore_mem>>)
      } else {
      }
      %add3A_153 = arith.constant 1 : i32
      %add3A_154 = arith.addi %mul3A_142, %add3A_153 : i32
      %lt3A_155 = arith.constant 40 : i32
      %lt3A_156 = arith.cmpi slt, %add3A_154, %lt3A_155 : i32
      %convert_element_type3A_157 = arith.extui %lt3A_156 : i1 to i32
      %cond3A_158 = arith.constant 0 : i32
      %cond3A_159 = arith.cmpi ne, %convert_element_type3A_157, %cond3A_158 : i32
      scf.if %cond3A_159 {
        %add3A_161 = arith.constant 1 : i32
        %add3A_162 = arith.addi %mul3A_142, %add3A_161 : i32
        %dma_wait3A_163 = arith.constant 0 : i32
        %dma_wait3A_164 = tpu.memref_slice %arg8[%add3A_162, %dma_wait3A_163] : memref<40x128xi32, #tpu.memory_space<vmem>> -> memref<1x128xi32, #tpu.memory_space<vmem>>
        %dma_wait3A_165 = tpu.memref_squeeze %dma_wait3A_164 : memref<1x128xi32, #tpu.memory_space<vmem>> -> memref<128xi32, #tpu.memory_space<vmem>>
        %dma_wait3A_166 = arith.constant 0 : i32
        %dma_wait3A_167 = arith.constant 0 : i32
        %dma_wait3A_168 = tpu.memref_slice %arg13[%dma_wait3A_166, %dma_wait3A_167] : memref<10240x64xf32, #tpu.memory_space<vmem_shared>> -> memref<10240x64xf32, #tpu.memory_space<vmem_shared>>
        tpu.wait_indirect_dma semaphore(%arg16 : memref<!tpu.dma_semaphore, #tpu.memory_space<semaphore_mem>>) src(%dma_wait3A_168 : memref<10240x64xf32, #tpu.memory_space<vmem_shared>>) dst(%arg12 : memref<128x64xf32, #tpu.memory_space<vmem>>)
        %add3A_169 = arith.constant 1 : i32
        %add3A_170 = arith.addi %mul3A_142, %add3A_169 : i32
        "tpu.region"() ({
          %run_scoped3A = tpu.sem_alloc : memref<!tpu.dma_semaphore, #tpu.memory_space<semaphore_mem>>
          %dma_start3A_178 = arith.constant 0 : i32
          %dma_start3A_179 = tpu.memref_slice %arg9[%add3A_170, %dma_start3A_178] : memref<40x128xi32, #tpu.memory_space<vmem>> -> memref<1x128xi32, #tpu.memory_space<vmem>>
          %dma_start3A_180 = tpu.memref_squeeze %dma_start3A_179 : memref<1x128xi32, #tpu.memory_space<vmem>> -> memref<128xi32, #tpu.memory_space<vmem>>
          %dma_start3A_181 = arith.constant 0 : i32
          %dma_start3A_182 = arith.constant 0 : i32
          %dma_start3A_183 = tpu.memref_slice %arg14[%dma_start3A_181, %dma_start3A_182] : memref<10240x64xf32, #tpu.memory_space<vmem_shared>> -> memref<10240x64xf32, #tpu.memory_space<vmem_shared>>
          tpu.enqueue_indirect_dma source(%arg12 : memref<128x64xf32, #tpu.memory_space<vmem>>) target(%dma_start3A_183 : memref<10240x64xf32, #tpu.memory_space<vmem_shared>>) offsets(%dma_start3A_180 : memref<128xi32, #tpu.memory_space<vmem>>) semaphore(%run_scoped3A : memref<!tpu.dma_semaphore, #tpu.memory_space<semaphore_mem>>) {add = true}
          %dma_wait3A_184 = arith.constant 0 : i32
          %dma_wait3A_185 = tpu.memref_slice %arg9[%add3A_170, %dma_wait3A_184] : memref<40x128xi32, #tpu.memory_space<vmem>> -> memref<1x128xi32, #tpu.memory_space<vmem>>
          %dma_wait3A_186 = tpu.memref_squeeze %dma_wait3A_185 : memref<1x128xi32, #tpu.memory_space<vmem>> -> memref<128xi32, #tpu.memory_space<vmem>>
          %dma_wait3A_187 = arith.constant 0 : i32
          %dma_wait3A_188 = arith.constant 0 : i32
          %dma_wait3A_189 = tpu.memref_slice %arg14[%dma_wait3A_187, %dma_wait3A_188] : memref<10240x64xf32, #tpu.memory_space<vmem_shared>> -> memref<10240x64xf32, #tpu.memory_space<vmem_shared>>
          tpu.wait_indirect_dma semaphore(%run_scoped3A : memref<!tpu.dma_semaphore, #tpu.memory_space<semaphore_mem>>) src(%arg12 : memref<128x64xf32, #tpu.memory_space<vmem>>) dst(%dma_wait3A_189 : memref<10240x64xf32, #tpu.memory_space<vmem_shared>>)
          tpu.yield
        }) : () -> ()
        %add3A_171 = arith.constant 3 : i32
        %add3A_172 = arith.addi %mul3A_142, %add3A_171 : i32
        %lt3A_173 = arith.constant 40 : i32
        %lt3A_174 = arith.cmpi slt, %add3A_172, %lt3A_173 : i32
        %convert_element_type3A_175 = arith.extui %lt3A_174 : i1 to i32
        %cond3A_176 = arith.constant 0 : i32
        %cond3A_177 = arith.cmpi ne, %convert_element_type3A_175, %cond3A_176 : i32
        scf.if %cond3A_177 {
          %add3A_178 = arith.constant 3 : i32
          %add3A_179 = arith.addi %mul3A_142, %add3A_178 : i32
          %dma_start3A_180 = arith.constant 0 : i32
          %dma_start3A_181 = tpu.memref_slice %arg8[%add3A_179, %dma_start3A_180] : memref<40x128xi32, #tpu.memory_space<vmem>> -> memref<1x128xi32, #tpu.memory_space<vmem>>
          %dma_start3A_182 = tpu.memref_squeeze %dma_start3A_181 : memref<1x128xi32, #tpu.memory_space<vmem>> -> memref<128xi32, #tpu.memory_space<vmem>>
          %dma_start3A_183 = arith.constant 0 : i32
          %dma_start3A_184 = arith.constant 0 : i32
          %dma_start3A_185 = tpu.memref_slice %arg13[%dma_start3A_183, %dma_start3A_184] : memref<10240x64xf32, #tpu.memory_space<vmem_shared>> -> memref<10240x64xf32, #tpu.memory_space<vmem_shared>>
          tpu.enqueue_indirect_dma source(%dma_start3A_185 : memref<10240x64xf32, #tpu.memory_space<vmem_shared>>) target(%arg12 : memref<128x64xf32, #tpu.memory_space<vmem>>) offsets(%dma_start3A_182 : memref<128xi32, #tpu.memory_space<vmem>>) semaphore(%arg16 : memref<!tpu.dma_semaphore, #tpu.memory_space<semaphore_mem>>)
        } else {
        }
      } else {
      }
      %scan3A_160 = arith.constant 0 : i32
      scf.yield %scan3A_160 : i32
    }
    %scan3A_123 = arith.constant 20 : i32
    %barrier3A_124 = arith.constant 0 : index
    tpu.barrier barrier_id(%barrier3A_124)
    %mul3A_125 = arith.constant 10240 : i32
    %mul3A_126 = arith.muli %arg0, %mul3A_125 : i32
    %add3A_127 = arith.addi %mul3A_126, %mul3A_6 : i32
    %dma_start3A_128 = arith.constant 0 : i32
    %dma_start3A_129 = tpu.memref_slice %arg7[%add3A_127, %dma_start3A_128] : memref<20480x64xf32, #tpu.memory_space<hbm>> -> memref<640x64xf32, #tpu.memory_space<hbm>>
    %dma_start3A_130 = arith.constant 0 : i32
    %dma_start3A_131 = tpu.memref_slice %arg14[%mul3A_6, %dma_start3A_130] : memref<10240x64xf32, #tpu.memory_space<vmem_shared>> -> memref<640x64xf32, #tpu.memory_space<vmem_shared>>
    tpu.enqueue_dma source(%dma_start3A_131 : memref<640x64xf32, #tpu.memory_space<vmem_shared>>) target(%dma_start3A_129 : memref<640x64xf32, #tpu.memory_space<hbm>>) target_semaphore(%arg17 : memref<!tpu.dma_semaphore, #tpu.memory_space<semaphore_mem>>)
    %mul3A_132 = arith.constant 10240 : i32
    %mul3A_133 = arith.muli %arg0, %mul3A_132 : i32
    %add3A_134 = arith.addi %mul3A_133, %mul3A_6 : i32
    %dma_wait3A_135 = arith.constant 0 : i32
    %dma_wait3A_136 = tpu.memref_slice %arg7[%add3A_134, %dma_wait3A_135] : memref<20480x64xf32, #tpu.memory_space<hbm>> -> memref<640x64xf32, #tpu.memory_space<hbm>>
    %dma_wait3A_137 = arith.constant 0 : i32
    %dma_wait3A_138 = tpu.memref_slice %arg14[%mul3A_6, %dma_wait3A_137] : memref<10240x64xf32, #tpu.memory_space<vmem_shared>> -> memref<640x64xf32, #tpu.memory_space<vmem_shared>>
    tpu.wait_dma2 semaphore(%arg17 : memref<!tpu.dma_semaphore, #tpu.memory_space<semaphore_mem>>) src(%dma_wait3A_138 : memref<640x64xf32, #tpu.memory_space<vmem_shared>>) dst(%dma_wait3A_136 : memref<640x64xf32, #tpu.memory_space<hbm>>)
    return
  }
}

#map = affine_map<(d0, d1) -> (0, 0)>
module attributes {stable_mosaic.version = 14 : i64} {
  func.func @k(%arg0: i32, %arg1: i32, %arg2: memref<1280x128xi32, #tpu.memory_space<hbm>>, %arg3: memref<20480x16xf32, #tpu.memory_space<hbm>>, %arg4: memref<40x128xi32, #tpu.memory_space<vmem>>, %arg5: memref<64x16xf32, #tpu.memory_space<vmem>>, %arg6: memref<128x16xf32, #tpu.memory_space<vmem>>, %arg7: memref<10240x16xf32, #tpu.memory_space<vmem_shared>>, %arg8: memref<!tpu.dma_semaphore, #tpu.memory_space<semaphore_mem>>) attributes {dimension_semantics = [#tpu.dimension_semantics<core_parallel>, #tpu.dimension_semantics<subcore_parallel>], iteration_bounds = array<i64: 2, 16>, scalar_prefetch = 0 : i64, scratch_operands = 5 : i64, tpu.core_type = #tpu.core_type<sc_vector_subcore>, window_params = [{transform_indices = #map}, {transform_indices = #map}]} {
    %scan3A = arith.constant 0 : i32
    %scan3A_0 = arith.constant 0 : i32
    %scan3A_1 = arith.constant 64 : i32
    %scan3A_2 = arith.addi %scan3A_0, %scan3A_1 : i32
    %scan3A_3 = arith.constant 1 : i32
    %scan3A_4 = scf.for %scan3A_43 = %scan3A_0 to %scan3A_2 step %scan3A_3 iter_args(%scan3A_44 = %scan3A) -> (i32)  : i32 {
      %jit3A = arith.constant 1 : i32
      %div3A = arith.divsi %scan3A_43, %jit3A : i32
      %sign3A = arith.constant 0 : i32
      %sign3A_45 = arith.cmpi sgt, %scan3A_43, %sign3A : i32
      %sign3A_46 = arith.extui %sign3A_45 : i1 to i32
      %sign3A_47 = arith.constant 0 : i32
      %sign3A_48 = arith.cmpi slt, %scan3A_43, %sign3A_47 : i32
      %sign3A_49 = arith.extui %sign3A_48 : i1 to i32
      %sign3A_50 = arith.subi %sign3A_46, %sign3A_49 : i32
      %sign3A_51 = arith.constant 0 : i32
      %sign3A_52 = arith.cmpi sgt, %jit3A, %sign3A_51 : i32
      %sign3A_53 = arith.extui %sign3A_52 : i1 to i32
      %sign3A_54 = arith.constant 0 : i32
      %sign3A_55 = arith.cmpi slt, %jit3A, %sign3A_54 : i32
      %sign3A_56 = arith.extui %sign3A_55 : i1 to i32
      %sign3A_57 = arith.subi %sign3A_53, %sign3A_56 : i32
      %ne3A = arith.cmpi ne, %sign3A_50, %sign3A_57 : i32
      %rem3A = arith.remsi %scan3A_43, %jit3A : i32
      %ne3A_58 = arith.constant 0 : i32
      %ne3A_59 = arith.cmpi ne, %rem3A, %ne3A_58 : i32
      %and3A = arith.andi %ne3A, %ne3A_59 : i1
      %sub3A = arith.constant 1 : i32
      %sub3A_60 = arith.subi %div3A, %sub3A : i32
      %select_n3A = arith.select %and3A, %sub3A_60, %div3A : i32
      %jit3A_61 = arith.constant 1 : i32
      %eq3A = arith.constant 0 : i32
      %eq3A_62 = arith.cmpi eq, %jit3A_61, %eq3A : i32
      %jit3A_63 = arith.constant 1 : i32
      %select_n3A_64 = arith.select %eq3A_62, %jit3A_63, %jit3A_61 : i32
      %rem3A_65 = arith.remsi %scan3A_43, %select_n3A_64 : i32
      %ne3A_66 = arith.constant 0 : i32
      %ne3A_67 = arith.cmpi ne, %rem3A_65, %ne3A_66 : i32
      %lt3A = arith.constant 0 : i32
      %lt3A_68 = arith.cmpi slt, %rem3A_65, %lt3A : i32
      %lt3A_69 = arith.constant 0 : i32
      %lt3A_70 = arith.cmpi slt, %select_n3A_64, %lt3A_69 : i32
      %ne3A_71 = arith.xori %lt3A_68, %lt3A_70 : i1
      %and3A_72 = arith.andi %ne3A_71, %ne3A_67 : i1
      %add3A_73 = arith.addi %rem3A_65, %select_n3A_64 : i32
      %select_n3A_74 = arith.select %and3A_72, %add3A_73, %rem3A_65 : i32
      %mul3A_75 = arith.constant 16 : i32
      %mul3A_76 = arith.muli %select_n3A_74, %mul3A_75 : i32
      %broadcast_in_dim3A = arith.constant 0.000000e+00 : f32
      %broadcast_in_dim3A_77 = vector.broadcast %broadcast_in_dim3A : f32 to vector<16xf32>
      %swap3A = arith.index_cast %select_n3A : i32 to index
      %swap3A_78 = arith.index_cast %mul3A_76 : i32 to index
      %swap3A_79 = tpu.vector_load %arg5[%swap3A, %swap3A_78] {strides = array<i32>} : memref<64x16xf32, #tpu.memory_space<vmem>>, vector<1x16xf32>,
      %swap3A_80 = vector.shape_cast %swap3A_79 : vector<1x16xf32> to vector<16xf32>
      %swap3A_81 = vector.shape_cast %broadcast_in_dim3A_77 : vector<16xf32> to vector<1x16xf32>
      tpu.vector_store %arg5[%swap3A, %swap3A_78], %swap3A_81 {strides = array<i32>} : memref<64x16xf32, #tpu.memory_space<vmem>>, vector<1x16xf32>,
      %scan3A_82 = arith.constant 0 : i32
      scf.yield %scan3A_82 : i32
    }
    %scan3A_5 = arith.constant 64 : i32
    %scan3A_6 = arith.constant 0 : i32
    %scan3A_7 = arith.constant 0 : i32
    %scan3A_8 = arith.constant 128 : i32
    %scan3A_9 = arith.addi %scan3A_7, %scan3A_8 : i32
    %scan3A_10 = arith.constant 1 : i32
    %scan3A_11 = scf.for %scan3A_43 = %scan3A_7 to %scan3A_9 step %scan3A_10 iter_args(%scan3A_44 = %scan3A_6) -> (i32)  : i32 {
      %jit3A = arith.constant 1 : i32
      %div3A = arith.divsi %scan3A_43, %jit3A : i32
      %sign3A = arith.constant 0 : i32
      %sign3A_45 = arith.cmpi sgt, %scan3A_43, %sign3A : i32
      %sign3A_46 = arith.extui %sign3A_45 : i1 to i32
      %sign3A_47 = arith.constant 0 : i32
      %sign3A_48 = arith.cmpi slt, %scan3A_43, %sign3A_47 : i32
      %sign3A_49 = arith.extui %sign3A_48 : i1 to i32
      %sign3A_50 = arith.subi %sign3A_46, %sign3A_49 : i32
      %sign3A_51 = arith.constant 0 : i32
      %sign3A_52 = arith.cmpi sgt, %jit3A, %sign3A_51 : i32
      %sign3A_53 = arith.extui %sign3A_52 : i1 to i32
      %sign3A_54 = arith.constant 0 : i32
      %sign3A_55 = arith.cmpi slt, %jit3A, %sign3A_54 : i32
      %sign3A_56 = arith.extui %sign3A_55 : i1 to i32
      %sign3A_57 = arith.subi %sign3A_53, %sign3A_56 : i32
      %ne3A = arith.cmpi ne, %sign3A_50, %sign3A_57 : i32
      %rem3A = arith.remsi %scan3A_43, %jit3A : i32
      %ne3A_58 = arith.constant 0 : i32
      %ne3A_59 = arith.cmpi ne, %rem3A, %ne3A_58 : i32
      %and3A = arith.andi %ne3A, %ne3A_59 : i1
      %sub3A = arith.constant 1 : i32
      %sub3A_60 = arith.subi %div3A, %sub3A : i32
      %select_n3A = arith.select %and3A, %sub3A_60, %div3A : i32
      %jit3A_61 = arith.constant 1 : i32
      %eq3A = arith.constant 0 : i32
      %eq3A_62 = arith.cmpi eq, %jit3A_61, %eq3A : i32
      %jit3A_63 = arith.constant 1 : i32
      %select_n3A_64 = arith.select %eq3A_62, %jit3A_63, %jit3A_61 : i32
      %rem3A_65 = arith.remsi %scan3A_43, %select_n3A_64 : i32
      %ne3A_66 = arith.constant 0 : i32
      %ne3A_67 = arith.cmpi ne, %rem3A_65, %ne3A_66 : i32
      %lt3A = arith.constant 0 : i32
      %lt3A_68 = arith.cmpi slt, %rem3A_65, %lt3A : i32
      %lt3A_69 = arith.constant 0 : i32
      %lt3A_70 = arith.cmpi slt, %select_n3A_64, %lt3A_69 : i32
      %ne3A_71 = arith.xori %lt3A_68, %lt3A_70 : i1
      %and3A_72 = arith.andi %ne3A_71, %ne3A_67 : i1
      %add3A_73 = arith.addi %rem3A_65, %select_n3A_64 : i32
      %select_n3A_74 = arith.select %and3A_72, %add3A_73, %rem3A_65 : i32
      %mul3A_75 = arith.constant 16 : i32
      %mul3A_76 = arith.muli %select_n3A_74, %mul3A_75 : i32
      %broadcast_in_dim3A = arith.constant 1.000000e+00 : f32
      %broadcast_in_dim3A_77 = vector.broadcast %broadcast_in_dim3A : f32 to vector<16xf32>
      %swap3A = arith.index_cast %select_n3A : i32 to index
      %swap3A_78 = arith.index_cast %mul3A_76 : i32 to index
      %swap3A_79 = tpu.vector_load %arg6[%swap3A, %swap3A_78] {strides = array<i32>} : memref<128x16xf32, #tpu.memory_space<vmem>>, vector<1x16xf32>,
      %swap3A_80 = vector.shape_cast %swap3A_79 : vector<1x16xf32> to vector<16xf32>
      %swap3A_81 = vector.shape_cast %broadcast_in_dim3A_77 : vector<16xf32> to vector<1x16xf32>
      tpu.vector_store %arg6[%swap3A, %swap3A_78], %swap3A_81 {strides = array<i32>} : memref<128x16xf32, #tpu.memory_space<vmem>>, vector<1x16xf32>,
      %scan3A_82 = arith.constant 0 : i32
      scf.yield %scan3A_82 : i32
    }
    %scan3A_12 = arith.constant 128 : i32
    %mul3A = arith.constant 640 : i32
    %mul3A_13 = arith.muli %arg1, %mul3A : i32
    %mul3A_14 = arith.constant 16 : i32
    %mul3A_15 = arith.muli %arg0, %mul3A_14 : i32
    %add3A = arith.addi %mul3A_15, %arg1 : i32
    %mul3A_16 = arith.constant 40 : i32
    %mul3A_17 = arith.muli %add3A, %mul3A_16 : i32
    "tpu.region"() ({
      %run_scoped3A = tpu.sem_alloc : memref<!tpu.dma_semaphore, #tpu.memory_space<semaphore_mem>>
      %dma_start3A = arith.constant 0 : i32
      %dma_start3A_43 = tpu.memref_slice %arg2[%mul3A_17, %dma_start3A] : memref<1280x128xi32, #tpu.memory_space<hbm>> -> memref<40x128xi32, #tpu.memory_space<hbm>>
      %dma_start3A_44 = arith.constant 0 : i32
      %dma_start3A_45 = tpu.memref_slice %arg2[%mul3A_17, %dma_start3A_44] : memref<1280x128xi32, #tpu.memory_space<hbm>> -> memref<40x128xi32, #tpu.memory_space<hbm>>
      tpu.enqueue_dma source(%dma_start3A_45 : memref<40x128xi32, #tpu.memory_space<hbm>>) target(%arg4 : memref<40x128xi32, #tpu.memory_space<vmem>>) target_semaphore(%run_scoped3A : memref<!tpu.dma_semaphore, #tpu.memory_space<semaphore_mem>>)
      %dma_wait3A = arith.constant 0 : i32
      %dma_wait3A_46 = tpu.memref_slice %arg2[%mul3A_17, %dma_wait3A] : memref<1280x128xi32, #tpu.memory_space<hbm>> -> memref<40x128xi32, #tpu.memory_space<hbm>>
      %dma_wait3A_47 = arith.constant 0 : i32
      %dma_wait3A_48 = tpu.memref_slice %arg2[%mul3A_17, %dma_wait3A_47] : memref<1280x128xi32, #tpu.memory_space<hbm>> -> memref<40x128xi32, #tpu.memory_space<hbm>>
      tpu.wait_dma2 semaphore(%run_scoped3A : memref<!tpu.dma_semaphore, #tpu.memory_space<semaphore_mem>>) src(%dma_wait3A_48 : memref<40x128xi32, #tpu.memory_space<hbm>>) dst(%arg4 : memref<40x128xi32, #tpu.memory_space<vmem>>)
      tpu.yield
    }) : () -> ()
    %scan3A_18 = arith.constant 0 : i32
    %scan3A_19 = arith.constant 0 : i32
    %scan3A_20 = arith.constant 10 : i32
    %scan3A_21 = arith.addi %scan3A_19, %scan3A_20 : i32
    %scan3A_22 = arith.constant 1 : i32
    %scan3A_23 = scf.for %scan3A_43 = %scan3A_19 to %scan3A_21 step %scan3A_22 iter_args(%scan3A_44 = %scan3A_18) -> (i32)  : i32 {
      %mul3A_45 = arith.constant 64 : i32
      %mul3A_46 = arith.muli %scan3A_43, %mul3A_45 : i32
      %add3A_47 = arith.addi %mul3A_13, %mul3A_46 : i32
      %dma_start3A = arith.constant 0 : i32
      %dma_start3A_48 = tpu.memref_slice %arg7[%add3A_47, %dma_start3A] : memref<10240x16xf32, #tpu.memory_space<vmem_shared>> -> memref<64x16xf32, #tpu.memory_space<vmem_shared>>
      %dma_start3A_49 = arith.constant 0 : i32
      %dma_start3A_50 = tpu.memref_slice %arg7[%add3A_47, %dma_start3A_49] : memref<10240x16xf32, #tpu.memory_space<vmem_shared>> -> memref<64x16xf32, #tpu.memory_space<vmem_shared>>
      tpu.enqueue_dma source(%arg5 : memref<64x16xf32, #tpu.memory_space<vmem>>) target(%dma_start3A_50 : memref<64x16xf32, #tpu.memory_space<vmem_shared>>) target_semaphore(%arg8 : memref<!tpu.dma_semaphore, #tpu.memory_space<semaphore_mem>>)
      %scan3A_51 = arith.constant 0 : i32
      scf.yield %scan3A_51 : i32
    }
    %scan3A_24 = arith.constant 10 : i32
    %scan3A_25 = arith.constant 0 : i32
    %scan3A_26 = arith.constant 0 : i32
    %scan3A_27 = arith.constant 10 : i32
    %scan3A_28 = arith.addi %scan3A_26, %scan3A_27 : i32
    %scan3A_29 = arith.constant 1 : i32
    %scan3A_30 = scf.for %scan3A_43 = %scan3A_26 to %scan3A_28 step %scan3A_29 iter_args(%scan3A_44 = %scan3A_25) -> (i32)  : i32 {
      %mul3A_45 = arith.constant 64 : i32
      %mul3A_46 = arith.muli %scan3A_43, %mul3A_45 : i32
      %add3A_47 = arith.addi %mul3A_13, %mul3A_46 : i32
      %dma_wait3A = arith.constant 0 : i32
      %dma_wait3A_48 = tpu.memref_slice %arg7[%add3A_47, %dma_wait3A] : memref<10240x16xf32, #tpu.memory_space<vmem_shared>> -> memref<64x16xf32, #tpu.memory_space<vmem_shared>>
      %dma_wait3A_49 = arith.constant 0 : i32
      %dma_wait3A_50 = tpu.memref_slice %arg7[%add3A_47, %dma_wait3A_49] : memref<10240x16xf32, #tpu.memory_space<vmem_shared>> -> memref<64x16xf32, #tpu.memory_space<vmem_shared>>
      tpu.wait_dma2 semaphore(%arg8 : memref<!tpu.dma_semaphore, #tpu.memory_space<semaphore_mem>>) src(%arg5 : memref<64x16xf32, #tpu.memory_space<vmem>>) dst(%dma_wait3A_50 : memref<64x16xf32, #tpu.memory_space<vmem_shared>>)
      %scan3A_51 = arith.constant 0 : i32
      scf.yield %scan3A_51 : i32
    }
    %scan3A_31 = arith.constant 10 : i32
    %barrier3A = arith.constant 0 : index
    tpu.barrier barrier_id(%barrier3A)
    %scan3A_32 = arith.constant 0 : i32
    %scan3A_33 = arith.constant 0 : i32
    %scan3A_34 = arith.constant 40 : i32
    %scan3A_35 = arith.addi %scan3A_33, %scan3A_34 : i32
    %scan3A_36 = arith.constant 1 : i32
    %scan3A_37 = scf.for %scan3A_43 = %scan3A_33 to %scan3A_35 step %scan3A_36 iter_args(%scan3A_44 = %scan3A_32) -> (i32)  : i32 {
      "tpu.region"() ({
        %run_scoped3A = tpu.sem_alloc : memref<!tpu.dma_semaphore, #tpu.memory_space<semaphore_mem>>
        %dma_start3A = arith.constant 0 : i32
        %dma_start3A_46 = tpu.memref_slice %arg4[%scan3A_43, %dma_start3A] : memref<40x128xi32, #tpu.memory_space<vmem>> -> memref<1x128xi32, #tpu.memory_space<vmem>>
        %dma_start3A_47 = tpu.memref_squeeze %dma_start3A_46 : memref<1x128xi32, #tpu.memory_space<vmem>> -> memref<128xi32, #tpu.memory_space<vmem>>
        %dma_start3A_48 = arith.constant 0 : i32
        %dma_start3A_49 = arith.constant 0 : i32
        %dma_start3A_50 = tpu.memref_slice %arg7[%dma_start3A_48, %dma_start3A_49] : memref<10240x16xf32, #tpu.memory_space<vmem_shared>> -> memref<10240x16xf32, #tpu.memory_space<vmem_shared>>
        tpu.enqueue_indirect_dma source(%arg6 : memref<128x16xf32, #tpu.memory_space<vmem>>) target(%dma_start3A_50 : memref<10240x16xf32, #tpu.memory_space<vmem_shared>>) offsets(%dma_start3A_47 : memref<128xi32, #tpu.memory_space<vmem>>) semaphore(%run_scoped3A : memref<!tpu.dma_semaphore, #tpu.memory_space<semaphore_mem>>) {add = true}
        %dma_wait3A = arith.constant 0 : i32
        %dma_wait3A_51 = tpu.memref_slice %arg4[%scan3A_43, %dma_wait3A] : memref<40x128xi32, #tpu.memory_space<vmem>> -> memref<1x128xi32, #tpu.memory_space<vmem>>
        %dma_wait3A_52 = tpu.memref_squeeze %dma_wait3A_51 : memref<1x128xi32, #tpu.memory_space<vmem>> -> memref<128xi32, #tpu.memory_space<vmem>>
        %dma_wait3A_53 = arith.constant 0 : i32
        %dma_wait3A_54 = arith.constant 0 : i32
        %dma_wait3A_55 = tpu.memref_slice %arg7[%dma_wait3A_53, %dma_wait3A_54] : memref<10240x16xf32, #tpu.memory_space<vmem_shared>> -> memref<10240x16xf32, #tpu.memory_space<vmem_shared>>
        tpu.wait_indirect_dma semaphore(%run_scoped3A : memref<!tpu.dma_semaphore, #tpu.memory_space<semaphore_mem>>) src(%arg6 : memref<128x16xf32, #tpu.memory_space<vmem>>) dst(%dma_wait3A_55 : memref<10240x16xf32, #tpu.memory_space<vmem_shared>>)
        tpu.yield
      }) : () -> ()
      %scan3A_45 = arith.constant 0 : i32
      scf.yield %scan3A_45 : i32
    }
    %scan3A_38 = arith.constant 40 : i32
    %barrier3A_39 = arith.constant 0 : index
    tpu.barrier barrier_id(%barrier3A_39)
    %mul3A_40 = arith.constant 10240 : i32
    %mul3A_41 = arith.muli %arg0, %mul3A_40 : i32
    %add3A_42 = arith.addi %mul3A_41, %mul3A_13 : i32
    "tpu.region"() ({
      %run_scoped3A = tpu.sem_alloc : memref<!tpu.dma_semaphore, #tpu.memory_space<semaphore_mem>>
      %dma_start3A = arith.constant 0 : i32
      %dma_start3A_43 = tpu.memref_slice %arg3[%add3A_42, %dma_start3A] : memref<20480x16xf32, #tpu.memory_space<hbm>> -> memref<640x16xf32, #tpu.memory_space<hbm>>
      %dma_start3A_44 = arith.constant 0 : i32
      %dma_start3A_45 = tpu.memref_slice %arg7[%mul3A_13, %dma_start3A_44] : memref<10240x16xf32, #tpu.memory_space<vmem_shared>> -> memref<640x16xf32, #tpu.memory_space<vmem_shared>>
      tpu.enqueue_dma source(%dma_start3A_45 : memref<640x16xf32, #tpu.memory_space<vmem_shared>>) target(%dma_start3A_43 : memref<640x16xf32, #tpu.memory_space<hbm>>) target_semaphore(%run_scoped3A : memref<!tpu.dma_semaphore, #tpu.memory_space<semaphore_mem>>)
      %dma_wait3A = arith.constant 0 : i32
      %dma_wait3A_46 = tpu.memref_slice %arg3[%add3A_42, %dma_wait3A] : memref<20480x16xf32, #tpu.memory_space<hbm>> -> memref<640x16xf32, #tpu.memory_space<hbm>>
      %dma_wait3A_47 = arith.constant 0 : i32
      %dma_wait3A_48 = tpu.memref_slice %arg7[%mul3A_13, %dma_wait3A_47] : memref<10240x16xf32, #tpu.memory_space<vmem_shared>> -> memref<640x16xf32, #tpu.memory_space<vmem_shared>>
      tpu.wait_dma2 semaphore(%run_scoped3A : memref<!tpu.dma_semaphore, #tpu.memory_space<semaphore_mem>>) src(%dma_wait3A_48 : memref<640x16xf32, #tpu.memory_space<vmem_shared>>) dst(%dma_wait3A_46 : memref<640x16xf32, #tpu.memory_space<hbm>>)
      tpu.yield
    }) : () -> ()
    return
  }
}

#map = affine_map<(d0, d1) -> (0, 0)>
module attributes {stable_mosaic.version = 14 : i64} {
  func.func @k(%arg0: i32, %arg1: i32, %arg2: memref<10240x64xf32, #tpu.memory_space<hbm>>, %arg3: memref<1280x128xi32, #tpu.memory_space<hbm>>, %arg4: memref<1280x128xi32, #tpu.memory_space<hbm>>, %arg5: memref<20480x64xf32, #tpu.memory_space<hbm>>, %arg6: memref<40x128xi32, #tpu.memory_space<vmem>>, %arg7: memref<40x128xi32, #tpu.memory_space<vmem>>, %arg8: memref<64x64xf32, #tpu.memory_space<vmem>>, %arg9: memref<128x64xf32, #tpu.memory_space<vmem>>, %arg10: memref<128x64xf32, #tpu.memory_space<vmem>>, %arg11: memref<10240x64xf32, #tpu.memory_space<vmem_shared>>, %arg12: memref<10240x64xf32, #tpu.memory_space<vmem_shared>>, %arg13: memref<!tpu.dma_semaphore, #tpu.memory_space<semaphore_mem>>, %arg14: memref<!tpu.dma_semaphore, #tpu.memory_space<semaphore_mem>>, %arg15: memref<!tpu.dma_semaphore, #tpu.memory_space<semaphore_mem>>, %arg16: memref<!tpu.dma_semaphore, #tpu.memory_space<semaphore_mem>>) attributes {dimension_semantics = [#tpu.dimension_semantics<core_parallel>, #tpu.dimension_semantics<subcore_parallel>], iteration_bounds = array<i64: 2, 16>, scalar_prefetch = 0 : i64, scratch_operands = 11 : i64, tpu.core_type = #tpu.core_type<sc_vector_subcore>, window_params = [{transform_indices = #map}, {transform_indices = #map}, {transform_indices = #map}, {transform_indices = #map}]} {
    %scan3A = arith.constant 0 : i32
    %scan3A_0 = arith.constant 0 : i32
    %scan3A_1 = arith.constant 256 : i32
    %scan3A_2 = arith.addi %scan3A_0, %scan3A_1 : i32
    %scan3A_3 = arith.constant 1 : i32
    %scan3A_4 = scf.for %scan3A_72 = %scan3A_0 to %scan3A_2 step %scan3A_3 iter_args(%scan3A_73 = %scan3A) -> (i32)  : i32 {
      %jit3A = arith.constant 4 : i32
      %div3A = arith.divsi %scan3A_72, %jit3A : i32
      %sign3A = arith.constant 0 : i32
      %sign3A_74 = arith.cmpi sgt, %scan3A_72, %sign3A : i32
      %sign3A_75 = arith.extui %sign3A_74 : i1 to i32
      %sign3A_76 = arith.constant 0 : i32
      %sign3A_77 = arith.cmpi slt, %scan3A_72, %sign3A_76 : i32
      %sign3A_78 = arith.extui %sign3A_77 : i1 to i32
      %sign3A_79 = arith.subi %sign3A_75, %sign3A_78 : i32
      %sign3A_80 = arith.constant 0 : i32
      %sign3A_81 = arith.cmpi sgt, %jit3A, %sign3A_80 : i32
      %sign3A_82 = arith.extui %sign3A_81 : i1 to i32
      %sign3A_83 = arith.constant 0 : i32
      %sign3A_84 = arith.cmpi slt, %jit3A, %sign3A_83 : i32
      %sign3A_85 = arith.extui %sign3A_84 : i1 to i32
      %sign3A_86 = arith.subi %sign3A_82, %sign3A_85 : i32
      %ne3A = arith.cmpi ne, %sign3A_79, %sign3A_86 : i32
      %rem3A = arith.remsi %scan3A_72, %jit3A : i32
      %ne3A_87 = arith.constant 0 : i32
      %ne3A_88 = arith.cmpi ne, %rem3A, %ne3A_87 : i32
      %and3A = arith.andi %ne3A, %ne3A_88 : i1
      %sub3A = arith.constant 1 : i32
      %sub3A_89 = arith.subi %div3A, %sub3A : i32
      %select_n3A = arith.select %and3A, %sub3A_89, %div3A : i32
      %jit3A_90 = arith.constant 4 : i32
      %eq3A = arith.constant 0 : i32
      %eq3A_91 = arith.cmpi eq, %jit3A_90, %eq3A : i32
      %jit3A_92 = arith.constant 1 : i32
      %select_n3A_93 = arith.select %eq3A_91, %jit3A_92, %jit3A_90 : i32
      %rem3A_94 = arith.remsi %scan3A_72, %select_n3A_93 : i32
      %ne3A_95 = arith.constant 0 : i32
      %ne3A_96 = arith.cmpi ne, %rem3A_94, %ne3A_95 : i32
      %lt3A = arith.constant 0 : i32
      %lt3A_97 = arith.cmpi slt, %rem3A_94, %lt3A : i32
      %lt3A_98 = arith.constant 0 : i32
      %lt3A_99 = arith.cmpi slt, %select_n3A_93, %lt3A_98 : i32
      %ne3A_100 = arith.xori %lt3A_97, %lt3A_99 : i1
      %and3A_101 = arith.andi %ne3A_100, %ne3A_96 : i1
      %add3A_102 = arith.addi %rem3A_94, %select_n3A_93 : i32
      %select_n3A_103 = arith.select %and3A_101, %add3A_102, %rem3A_94 : i32
      %mul3A_104 = arith.constant 16 : i32
      %mul3A_105 = arith.muli %select_n3A_103, %mul3A_104 : i32
      %broadcast_in_dim3A = arith.constant 0.000000e+00 : f32
      %broadcast_in_dim3A_106 = vector.broadcast %broadcast_in_dim3A : f32 to vector<16xf32>
      %swap3A = arith.index_cast %select_n3A : i32 to index
      %swap3A_107 = arith.index_cast %mul3A_105 : i32 to index
      %swap3A_108 = tpu.vector_load %arg8[%swap3A, %swap3A_107] {strides = array<i32>} : memref<64x64xf32, #tpu.memory_space<vmem>>, vector<1x16xf32>,
      %swap3A_109 = vector.shape_cast %swap3A_108 : vector<1x16xf32> to vector<16xf32>
      %swap3A_110 = vector.shape_cast %broadcast_in_dim3A_106 : vector<16xf32> to vector<1x16xf32>
      tpu.vector_store %arg8[%swap3A, %swap3A_107], %swap3A_110 {strides = array<i32>} : memref<64x64xf32, #tpu.memory_space<vmem>>, vector<1x16xf32>,
      %scan3A_111 = arith.constant 0 : i32
      scf.yield %scan3A_111 : i32
    }
    %scan3A_5 = arith.constant 256 : i32
    %mul3A = arith.constant 640 : i32
    %mul3A_6 = arith.muli %arg1, %mul3A : i32
    %mul3A_7 = arith.constant 16 : i32
    %mul3A_8 = arith.muli %arg0, %mul3A_7 : i32
    %add3A = arith.addi %mul3A_8, %arg1 : i32
    %mul3A_9 = arith.constant 40 : i32
    %mul3A_10 = arith.muli %add3A, %mul3A_9 : i32
    %dma_start3A = arith.constant 0 : i32
    %dma_start3A_11 = tpu.memref_slice %arg4[%mul3A_10, %dma_start3A] : memref<1280x128xi32, #tpu.memory_space<hbm>> -> memref<40x128xi32, #tpu.memory_space<hbm>>
    %dma_start3A_12 = arith.constant 0 : i32
    %dma_start3A_13 = tpu.memref_slice %arg4[%mul3A_10, %dma_start3A_12] : memref<1280x128xi32, #tpu.memory_space<hbm>> -> memref<40x128xi32, #tpu.memory_space<hbm>>
    tpu.enqueue_dma source(%dma_start3A_13 : memref<40x128xi32, #tpu.memory_space<hbm>>) target(%arg7 : memref<40x128xi32, #tpu.memory_space<vmem>>) target_semaphore(%arg15 : memref<!tpu.dma_semaphore, #tpu.memory_space<semaphore_mem>>)
    %dma_start3A_14 = arith.constant 0 : i32
    %dma_start3A_15 = tpu.memref_slice %arg3[%mul3A_10, %dma_start3A_14] : memref<1280x128xi32, #tpu.memory_space<hbm>> -> memref<40x128xi32, #tpu.memory_space<hbm>>
    %dma_start3A_16 = arith.constant 0 : i32
    %dma_start3A_17 = tpu.memref_slice %arg3[%mul3A_10, %dma_start3A_16] : memref<1280x128xi32, #tpu.memory_space<hbm>> -> memref<40x128xi32, #tpu.memory_space<hbm>>
    tpu.enqueue_dma source(%dma_start3A_17 : memref<40x128xi32, #tpu.memory_space<hbm>>) target(%arg6 : memref<40x128xi32, #tpu.memory_space<vmem>>) target_semaphore(%arg16 : memref<!tpu.dma_semaphore, #tpu.memory_space<semaphore_mem>>)
    %dma_start3A_18 = arith.constant 0 : i32
    %dma_start3A_19 = tpu.memref_slice %arg11[%mul3A_6, %dma_start3A_18] : memref<10240x64xf32, #tpu.memory_space<vmem_shared>> -> memref<640x64xf32, #tpu.memory_space<vmem_shared>>
    %dma_start3A_20 = arith.constant 0 : i32
    %dma_start3A_21 = tpu.memref_slice %arg2[%mul3A_6, %dma_start3A_20] : memref<10240x64xf32, #tpu.memory_space<hbm>> -> memref<640x64xf32, #tpu.memory_space<hbm>>
    tpu.enqueue_dma source(%dma_start3A_21 : memref<640x64xf32, #tpu.memory_space<hbm>>) target(%dma_start3A_19 : memref<640x64xf32, #tpu.memory_space<vmem_shared>>) target_semaphore(%arg14 : memref<!tpu.dma_semaphore, #tpu.memory_space<semaphore_mem>>)
    %scan3A_22 = arith.constant 0 : i32
    %scan3A_23 = arith.constant 0 : i32
    %scan3A_24 = arith.constant 10 : i32
    %scan3A_25 = arith.addi %scan3A_23, %scan3A_24 : i32
    %scan3A_26 = arith.constant 1 : i32
    %scan3A_27 = scf.for %scan3A_72 = %scan3A_23 to %scan3A_25 step %scan3A_26 iter_args(%scan3A_73 = %scan3A_22) -> (i32)  : i32 {
      %mul3A_74 = arith.constant 64 : i32
      %mul3A_75 = arith.muli %scan3A_72, %mul3A_74 : i32
      %add3A_76 = arith.addi %mul3A_6, %mul3A_75 : i32
      %dma_start3A_77 = arith.constant 0 : i32
      %dma_start3A_78 = tpu.memref_slice %arg12[%add3A_76, %dma_start3A_77] : memref<10240x64xf32, #tpu.memory_space<vmem_shared>> -> memref<64x64xf32, #tpu.memory_space<vmem_shared>>
      %dma_start3A_79 = arith.constant 0 : i32
      %dma_start3A_80 = tpu.memref_slice %arg12[%add3A_76, %dma_start3A_79] : memref<10240x64xf32, #tpu.memory_space<vmem_shared>> -> memref<64x64xf32, #tpu.memory_space<vmem_shared>>
      tpu.enqueue_dma source(%arg8 : memref<64x64xf32, #tpu.memory_space<vmem>>) target(%dma_start3A_80 : memref<64x64xf32, #tpu.memory_space<vmem_shared>>) target_semaphore(%arg13 : memref<!tpu.dma_semaphore, #tpu.memory_space<semaphore_mem>>)
      %scan3A_81 = arith.constant 0 : i32
      scf.yield %scan3A_81 : i32
    }
    %scan3A_28 = arith.constant 10 : i32
    %scan3A_29 = arith.constant 0 : i32
    %scan3A_30 = arith.constant 0 : i32
    %scan3A_31 = arith.constant 10 : i32
    %scan3A_32 = arith.addi %scan3A_30, %scan3A_31 : i32
    %scan3A_33 = arith.constant 1 : i32
    %scan3A_34 = scf.for %scan3A_72 = %scan3A_30 to %scan3A_32 step %scan3A_33 iter_args(%scan3A_73 = %scan3A_29) -> (i32)  : i32 {
      %mul3A_74 = arith.constant 64 : i32
      %mul3A_75 = arith.muli %scan3A_72, %mul3A_74 : i32
      %add3A_76 = arith.addi %mul3A_6, %mul3A_75 : i32
      %dma_wait3A_77 = arith.constant 0 : i32
      %dma_wait3A_78 = tpu.memref_slice %arg12[%add3A_76, %dma_wait3A_77] : memref<10240x64xf32, #tpu.memory_space<vmem_shared>> -> memref<64x64xf32, #tpu.memory_space<vmem_shared>>
      %dma_wait3A_79 = arith.constant 0 : i32
      %dma_wait3A_80 = tpu.memref_slice %arg12[%add3A_76, %dma_wait3A_79] : memref<10240x64xf32, #tpu.memory_space<vmem_shared>> -> memref<64x64xf32, #tpu.memory_space<vmem_shared>>
      tpu.wait_dma2 semaphore(%arg13 : memref<!tpu.dma_semaphore, #tpu.memory_space<semaphore_mem>>) src(%arg8 : memref<64x64xf32, #tpu.memory_space<vmem>>) dst(%dma_wait3A_80 : memref<64x64xf32, #tpu.memory_space<vmem_shared>>)
      %scan3A_81 = arith.constant 0 : i32
      scf.yield %scan3A_81 : i32
    }
    %scan3A_35 = arith.constant 10 : i32
    %dma_wait3A = arith.constant 0 : i32
    %dma_wait3A_36 = tpu.memref_slice %arg11[%mul3A_6, %dma_wait3A] : memref<10240x64xf32, #tpu.memory_space<vmem_shared>> -> memref<640x64xf32, #tpu.memory_space<vmem_shared>>
    %dma_wait3A_37 = arith.constant 0 : i32
    %dma_wait3A_38 = tpu.memref_slice %arg2[%mul3A_6, %dma_wait3A_37] : memref<10240x64xf32, #tpu.memory_space<hbm>> -> memref<640x64xf32, #tpu.memory_space<hbm>>
    tpu.wait_dma2 semaphore(%arg14 : memref<!tpu.dma_semaphore, #tpu.memory_space<semaphore_mem>>) src(%dma_wait3A_38 : memref<640x64xf32, #tpu.memory_space<hbm>>) dst(%dma_wait3A_36 : memref<640x64xf32, #tpu.memory_space<vmem_shared>>)
    %dma_wait3A_39 = arith.constant 0 : i32
    %dma_wait3A_40 = tpu.memref_slice %arg4[%mul3A_10, %dma_wait3A_39] : memref<1280x128xi32, #tpu.memory_space<hbm>> -> memref<40x128xi32, #tpu.memory_space<hbm>>
    %dma_wait3A_41 = arith.constant 0 : i32
    %dma_wait3A_42 = tpu.memref_slice %arg4[%mul3A_10, %dma_wait3A_41] : memref<1280x128xi32, #tpu.memory_space<hbm>> -> memref<40x128xi32, #tpu.memory_space<hbm>>
    tpu.wait_dma2 semaphore(%arg15 : memref<!tpu.dma_semaphore, #tpu.memory_space<semaphore_mem>>) src(%dma_wait3A_42 : memref<40x128xi32, #tpu.memory_space<hbm>>) dst(%arg7 : memref<40x128xi32, #tpu.memory_space<vmem>>)
    %dma_wait3A_43 = arith.constant 0 : i32
    %dma_wait3A_44 = tpu.memref_slice %arg3[%mul3A_10, %dma_wait3A_43] : memref<1280x128xi32, #tpu.memory_space<hbm>> -> memref<40x128xi32, #tpu.memory_space<hbm>>
    %dma_wait3A_45 = arith.constant 0 : i32
    %dma_wait3A_46 = tpu.memref_slice %arg3[%mul3A_10, %dma_wait3A_45] : memref<1280x128xi32, #tpu.memory_space<hbm>> -> memref<40x128xi32, #tpu.memory_space<hbm>>
    tpu.wait_dma2 semaphore(%arg16 : memref<!tpu.dma_semaphore, #tpu.memory_space<semaphore_mem>>) src(%dma_wait3A_46 : memref<40x128xi32, #tpu.memory_space<hbm>>) dst(%arg6 : memref<40x128xi32, #tpu.memory_space<vmem>>)
    %barrier3A = arith.constant 0 : index
    tpu.barrier barrier_id(%barrier3A)
    %dma_start3A_47 = arith.constant 0 : i32
    %dma_start3A_48 = arith.constant 0 : i32
    %dma_start3A_49 = tpu.memref_slice %arg6[%dma_start3A_47, %dma_start3A_48] : memref<40x128xi32, #tpu.memory_space<vmem>> -> memref<1x128xi32, #tpu.memory_space<vmem>>
    %dma_start3A_50 = tpu.memref_squeeze %dma_start3A_49 : memref<1x128xi32, #tpu.memory_space<vmem>> -> memref<128xi32, #tpu.memory_space<vmem>>
    %dma_start3A_51 = arith.constant 0 : i32
    %dma_start3A_52 = arith.constant 0 : i32
    %dma_start3A_53 = tpu.memref_slice %arg11[%dma_start3A_51, %dma_start3A_52] : memref<10240x64xf32, #tpu.memory_space<vmem_shared>> -> memref<10240x64xf32, #tpu.memory_space<vmem_shared>>
    tpu.enqueue_indirect_dma source(%dma_start3A_53 : memref<10240x64xf32, #tpu.memory_space<vmem_shared>>) target(%arg9 : memref<128x64xf32, #tpu.memory_space<vmem>>) offsets(%dma_start3A_50 : memref<128xi32, #tpu.memory_space<vmem>>) semaphore(%arg13 : memref<!tpu.dma_semaphore, #tpu.memory_space<semaphore_mem>>)
    %dma_start3A_54 = arith.constant 1 : i32
    %dma_start3A_55 = arith.constant 0 : i32
    %dma_start3A_56 = tpu.memref_slice %arg6[%dma_start3A_54, %dma_start3A_55] : memref<40x128xi32, #tpu.memory_space<vmem>> -> memref<1x128xi32, #tpu.memory_space<vmem>>
    %dma_start3A_57 = tpu.memref_squeeze %dma_start3A_56 : memref<1x128xi32, #tpu.memory_space<vmem>> -> memref<128xi32, #tpu.memory_space<vmem>>
    %dma_start3A_58 = arith.constant 0 : i32
    %dma_start3A_59 = arith.constant 0 : i32
    %dma_start3A_60 = tpu.memref_slice %arg11[%dma_start3A_58, %dma_start3A_59] : memref<10240x64xf32, #tpu.memory_space<vmem_shared>> -> memref<10240x64xf32, #tpu.memory_space<vmem_shared>>
    tpu.enqueue_indirect_dma source(%dma_start3A_60 : memref<10240x64xf32, #tpu.memory_space<vmem_shared>>) target(%arg10 : memref<128x64xf32, #tpu.memory_space<vmem>>) offsets(%dma_start3A_57 : memref<128xi32, #tpu.memory_space<vmem>>) semaphore(%arg14 : memref<!tpu.dma_semaphore, #tpu.memory_space<semaphore_mem>>)
    %scan3A_61 = arith.constant 0 : i32
    %scan3A_62 = arith.constant 0 : i32
    %scan3A_63 = arith.constant 20 : i32
    %scan3A_64 = arith.addi %scan3A_62, %scan3A_63 : i32
    %scan3A_65 = arith.constant 1 : i32
    %scan3A_66 = scf.for %scan3A_72 = %scan3A_62 to %scan3A_64 step %scan3A_65 iter_args(%scan3A_73 = %scan3A_61) -> (i32)  : i32 {
      %mul3A_74 = arith.constant 2 : i32
      %mul3A_75 = arith.muli %mul3A_74, %scan3A_72 : i32
      %dma_wait3A_76 = arith.constant 0 : i32
      %dma_wait3A_77 = tpu.memref_slice %arg6[%mul3A_75, %dma_wait3A_76] : memref<40x128xi32, #tpu.memory_space<vmem>> -> memref<1x128xi32, #tpu.memory_space<vmem>>
      %dma_wait3A_78 = tpu.memref_squeeze %dma_wait3A_77 : memref<1x128xi32, #tpu.memory_space<vmem>> -> memref<128xi32, #tpu.memory_space<vmem>>
      %dma_wait3A_79 = arith.constant 0 : i32
      %dma_wait3A_80 = arith.constant 0 : i32
      %dma_wait3A_81 = tpu.memref_slice %arg11[%dma_wait3A_79, %dma_wait3A_80] : memref<10240x64xf32, #tpu.memory_space<vmem_shared>> -> memref<10240x64xf32, #tpu.memory_space<vmem_shared>>
      tpu.wait_indirect_dma semaphore(%arg13 : memref<!tpu.dma_semaphore, #tpu.memory_space<semaphore_mem>>) src(%dma_wait3A_81 : memref<10240x64xf32, #tpu.memory_space<vmem_shared>>) dst(%arg9 : memref<128x64xf32, #tpu.memory_space<vmem>>)
      "tpu.region"() ({
        %run_scoped3A = tpu.sem_alloc : memref<!tpu.dma_semaphore, #tpu.memory_space<semaphore_mem>>
        %dma_start3A_94 = arith.constant 0 : i32
        %dma_start3A_95 = tpu.memref_slice %arg7[%mul3A_75, %dma_start3A_94] : memref<40x128xi32, #tpu.memory_space<vmem>> -> memref<1x128xi32, #tpu.memory_space<vmem>>
        %dma_start3A_96 = tpu.memref_squeeze %dma_start3A_95 : memref<1x128xi32, #tpu.memory_space<vmem>> -> memref<128xi32, #tpu.memory_space<vmem>>
        %dma_start3A_97 = arith.constant 0 : i32
        %dma_start3A_98 = arith.constant 0 : i32
        %dma_start3A_99 = tpu.memref_slice %arg12[%dma_start3A_97, %dma_start3A_98] : memref<10240x64xf32, #tpu.memory_space<vmem_shared>> -> memref<10240x64xf32, #tpu.memory_space<vmem_shared>>
        tpu.enqueue_indirect_dma source(%arg9 : memref<128x64xf32, #tpu.memory_space<vmem>>) target(%dma_start3A_99 : memref<10240x64xf32, #tpu.memory_space<vmem_shared>>) offsets(%dma_start3A_96 : memref<128xi32, #tpu.memory_space<vmem>>) semaphore(%run_scoped3A : memref<!tpu.dma_semaphore, #tpu.memory_space<semaphore_mem>>) {add = true}
        %dma_wait3A_100 = arith.constant 0 : i32
        %dma_wait3A_101 = tpu.memref_slice %arg7[%mul3A_75, %dma_wait3A_100] : memref<40x128xi32, #tpu.memory_space<vmem>> -> memref<1x128xi32, #tpu.memory_space<vmem>>
        %dma_wait3A_102 = tpu.memref_squeeze %dma_wait3A_101 : memref<1x128xi32, #tpu.memory_space<vmem>> -> memref<128xi32, #tpu.memory_space<vmem>>
        %dma_wait3A_103 = arith.constant 0 : i32
        %dma_wait3A_104 = arith.constant 0 : i32
        %dma_wait3A_105 = tpu.memref_slice %arg12[%dma_wait3A_103, %dma_wait3A_104] : memref<10240x64xf32, #tpu.memory_space<vmem_shared>> -> memref<10240x64xf32, #tpu.memory_space<vmem_shared>>
        tpu.wait_indirect_dma semaphore(%run_scoped3A : memref<!tpu.dma_semaphore, #tpu.memory_space<semaphore_mem>>) src(%arg9 : memref<128x64xf32, #tpu.memory_space<vmem>>) dst(%dma_wait3A_105 : memref<10240x64xf32, #tpu.memory_space<vmem_shared>>)
        tpu.yield
      }) : () -> ()
      %add3A_82 = arith.constant 2 : i32
      %add3A_83 = arith.addi %mul3A_75, %add3A_82 : i32
      %lt3A = arith.constant 40 : i32
      %lt3A_84 = arith.cmpi slt, %add3A_83, %lt3A : i32
      %convert_element_type3A = arith.extui %lt3A_84 : i1 to i32
      %cond3A = arith.constant 0 : i32
      %cond3A_85 = arith.cmpi ne, %convert_element_type3A, %cond3A : i32
      scf.if %cond3A_85 {
        %add3A_94 = arith.constant 2 : i32
        %add3A_95 = arith.addi %mul3A_75, %add3A_94 : i32
        %dma_start3A_96 = arith.constant 0 : i32
        %dma_start3A_97 = tpu.memref_slice %arg6[%add3A_95, %dma_start3A_96] : memref<40x128xi32, #tpu.memory_space<vmem>> -> memref<1x128xi32, #tpu.memory_space<vmem>>
        %dma_start3A_98 = tpu.memref_squeeze %dma_start3A_97 : memref<1x128xi32, #tpu.memory_space<vmem>> -> memref<128xi32, #tpu.memory_space<vmem>>
        %dma_start3A_99 = arith.constant 0 : i32
        %dma_start3A_100 = arith.constant 0 : i32
        %dma_start3A_101 = tpu.memref_slice %arg11[%dma_start3A_99, %dma_start3A_100] : memref<10240x64xf32, #tpu.memory_space<vmem_shared>> -> memref<10240x64xf32, #tpu.memory_space<vmem_shared>>
        tpu.enqueue_indirect_dma source(%dma_start3A_101 : memref<10240x64xf32, #tpu.memory_space<vmem_shared>>) target(%arg9 : memref<128x64xf32, #tpu.memory_space<vmem>>) offsets(%dma_start3A_98 : memref<128xi32, #tpu.memory_space<vmem>>) semaphore(%arg13 : memref<!tpu.dma_semaphore, #tpu.memory_space<semaphore_mem>>)
      } else {
      }
      %add3A_86 = arith.constant 1 : i32
      %add3A_87 = arith.addi %mul3A_75, %add3A_86 : i32
      %lt3A_88 = arith.constant 40 : i32
      %lt3A_89 = arith.cmpi slt, %add3A_87, %lt3A_88 : i32
      %convert_element_type3A_90 = arith.extui %lt3A_89 : i1 to i32
      %cond3A_91 = arith.constant 0 : i32
      %cond3A_92 = arith.cmpi ne, %convert_element_type3A_90, %cond3A_91 : i32
      scf.if %cond3A_92 {
        %add3A_94 = arith.constant 1 : i32
        %add3A_95 = arith.addi %mul3A_75, %add3A_94 : i32
        %dma_wait3A_96 = arith.constant 0 : i32
        %dma_wait3A_97 = tpu.memref_slice %arg6[%add3A_95, %dma_wait3A_96] : memref<40x128xi32, #tpu.memory_space<vmem>> -> memref<1x128xi32, #tpu.memory_space<vmem>>
        %dma_wait3A_98 = tpu.memref_squeeze %dma_wait3A_97 : memref<1x128xi32, #tpu.memory_space<vmem>> -> memref<128xi32, #tpu.memory_space<vmem>>
        %dma_wait3A_99 = arith.constant 0 : i32
        %dma_wait3A_100 = arith.constant 0 : i32
        %dma_wait3A_101 = tpu.memref_slice %arg11[%dma_wait3A_99, %dma_wait3A_100] : memref<10240x64xf32, #tpu.memory_space<vmem_shared>> -> memref<10240x64xf32, #tpu.memory_space<vmem_shared>>
        tpu.wait_indirect_dma semaphore(%arg14 : memref<!tpu.dma_semaphore, #tpu.memory_space<semaphore_mem>>) src(%dma_wait3A_101 : memref<10240x64xf32, #tpu.memory_space<vmem_shared>>) dst(%arg10 : memref<128x64xf32, #tpu.memory_space<vmem>>)
        %add3A_102 = arith.constant 1 : i32
        %add3A_103 = arith.addi %mul3A_75, %add3A_102 : i32
        "tpu.region"() ({
          %run_scoped3A = tpu.sem_alloc : memref<!tpu.dma_semaphore, #tpu.memory_space<semaphore_mem>>
          %dma_start3A_111 = arith.constant 0 : i32
          %dma_start3A_112 = tpu.memref_slice %arg7[%add3A_103, %dma_start3A_111] : memref<40x128xi32, #tpu.memory_space<vmem>> -> memref<1x128xi32, #tpu.memory_space<vmem>>
          %dma_start3A_113 = tpu.memref_squeeze %dma_start3A_112 : memref<1x128xi32, #tpu.memory_space<vmem>> -> memref<128xi32, #tpu.memory_space<vmem>>
          %dma_start3A_114 = arith.constant 0 : i32
          %dma_start3A_115 = arith.constant 0 : i32
          %dma_start3A_116 = tpu.memref_slice %arg12[%dma_start3A_114, %dma_start3A_115] : memref<10240x64xf32, #tpu.memory_space<vmem_shared>> -> memref<10240x64xf32, #tpu.memory_space<vmem_shared>>
          tpu.enqueue_indirect_dma source(%arg10 : memref<128x64xf32, #tpu.memory_space<vmem>>) target(%dma_start3A_116 : memref<10240x64xf32, #tpu.memory_space<vmem_shared>>) offsets(%dma_start3A_113 : memref<128xi32, #tpu.memory_space<vmem>>) semaphore(%run_scoped3A : memref<!tpu.dma_semaphore, #tpu.memory_space<semaphore_mem>>) {add = true}
          %dma_wait3A_117 = arith.constant 0 : i32
          %dma_wait3A_118 = tpu.memref_slice %arg7[%add3A_103, %dma_wait3A_117] : memref<40x128xi32, #tpu.memory_space<vmem>> -> memref<1x128xi32, #tpu.memory_space<vmem>>
          %dma_wait3A_119 = tpu.memref_squeeze %dma_wait3A_118 : memref<1x128xi32, #tpu.memory_space<vmem>> -> memref<128xi32, #tpu.memory_space<vmem>>
          %dma_wait3A_120 = arith.constant 0 : i32
          %dma_wait3A_121 = arith.constant 0 : i32
          %dma_wait3A_122 = tpu.memref_slice %arg12[%dma_wait3A_120, %dma_wait3A_121] : memref<10240x64xf32, #tpu.memory_space<vmem_shared>> -> memref<10240x64xf32, #tpu.memory_space<vmem_shared>>
          tpu.wait_indirect_dma semaphore(%run_scoped3A : memref<!tpu.dma_semaphore, #tpu.memory_space<semaphore_mem>>) src(%arg10 : memref<128x64xf32, #tpu.memory_space<vmem>>) dst(%dma_wait3A_122 : memref<10240x64xf32, #tpu.memory_space<vmem_shared>>)
          tpu.yield
        }) : () -> ()
        %add3A_104 = arith.constant 3 : i32
        %add3A_105 = arith.addi %mul3A_75, %add3A_104 : i32
        %lt3A_106 = arith.constant 40 : i32
        %lt3A_107 = arith.cmpi slt, %add3A_105, %lt3A_106 : i32
        %convert_element_type3A_108 = arith.extui %lt3A_107 : i1 to i32
        %cond3A_109 = arith.constant 0 : i32
        %cond3A_110 = arith.cmpi ne, %convert_element_type3A_108, %cond3A_109 : i32
        scf.if %cond3A_110 {
          %add3A_111 = arith.constant 3 : i32
          %add3A_112 = arith.addi %mul3A_75, %add3A_111 : i32
          %dma_start3A_113 = arith.constant 0 : i32
          %dma_start3A_114 = tpu.memref_slice %arg6[%add3A_112, %dma_start3A_113] : memref<40x128xi32, #tpu.memory_space<vmem>> -> memref<1x128xi32, #tpu.memory_space<vmem>>
          %dma_start3A_115 = tpu.memref_squeeze %dma_start3A_114 : memref<1x128xi32, #tpu.memory_space<vmem>> -> memref<128xi32, #tpu.memory_space<vmem>>
          %dma_start3A_116 = arith.constant 0 : i32
          %dma_start3A_117 = arith.constant 0 : i32
          %dma_start3A_118 = tpu.memref_slice %arg11[%dma_start3A_116, %dma_start3A_117] : memref<10240x64xf32, #tpu.memory_space<vmem_shared>> -> memref<10240x64xf32, #tpu.memory_space<vmem_shared>>
          tpu.enqueue_indirect_dma source(%dma_start3A_118 : memref<10240x64xf32, #tpu.memory_space<vmem_shared>>) target(%arg10 : memref<128x64xf32, #tpu.memory_space<vmem>>) offsets(%dma_start3A_115 : memref<128xi32, #tpu.memory_space<vmem>>) semaphore(%arg14 : memref<!tpu.dma_semaphore, #tpu.memory_space<semaphore_mem>>)
        } else {
        }
      } else {
      }
      %scan3A_93 = arith.constant 0 : i32
      scf.yield %scan3A_93 : i32
    }
    %scan3A_67 = arith.constant 20 : i32
    %barrier3A_68 = arith.constant 0 : index
    tpu.barrier barrier_id(%barrier3A_68)
    %mul3A_69 = arith.constant 10240 : i32
    %mul3A_70 = arith.muli %arg0, %mul3A_69 : i32
    %add3A_71 = arith.addi %mul3A_70, %mul3A_6 : i32
    "tpu.region"() ({
      %run_scoped3A = tpu.sem_alloc : memref<!tpu.dma_semaphore, #tpu.memory_space<semaphore_mem>>
      %dma_start3A_72 = arith.constant 0 : i32
      %dma_start3A_73 = tpu.memref_slice %arg5[%add3A_71, %dma_start3A_72] : memref<20480x64xf32, #tpu.memory_space<hbm>> -> memref<640x64xf32, #tpu.memory_space<hbm>>
      %dma_start3A_74 = arith.constant 0 : i32
      %dma_start3A_75 = tpu.memref_slice %arg12[%mul3A_6, %dma_start3A_74] : memref<10240x64xf32, #tpu.memory_space<vmem_shared>> -> memref<640x64xf32, #tpu.memory_space<vmem_shared>>
      tpu.enqueue_dma source(%dma_start3A_75 : memref<640x64xf32, #tpu.memory_space<vmem_shared>>) target(%dma_start3A_73 : memref<640x64xf32, #tpu.memory_space<hbm>>) target_semaphore(%run_scoped3A : memref<!tpu.dma_semaphore, #tpu.memory_space<semaphore_mem>>)
      %dma_wait3A_76 = arith.constant 0 : i32
      %dma_wait3A_77 = tpu.memref_slice %arg5[%add3A_71, %dma_wait3A_76] : memref<20480x64xf32, #tpu.memory_space<hbm>> -> memref<640x64xf32, #tpu.memory_space<hbm>>
      %dma_wait3A_78 = arith.constant 0 : i32
      %dma_wait3A_79 = tpu.memref_slice %arg12[%mul3A_6, %dma_wait3A_78] : memref<10240x64xf32, #tpu.memory_space<vmem_shared>> -> memref<640x64xf32, #tpu.memory_space<vmem_shared>>
      tpu.wait_dma2 semaphore(%run_scoped3A : memref<!tpu.dma_semaphore, #tpu.memory_space<semaphore_mem>>) src(%dma_wait3A_79 : memref<640x64xf32, #tpu.memory_space<vmem_shared>>) dst(%dma_wait3A_77 : memref<640x64xf32, #tpu.memory_space<hbm>>)
      tpu.yield
    }) : () -> ()
    return
  }
}

module attributes {stable_mosaic.version = 14 : i64} {
  func.func @_mm1_body(%arg0: i32, %arg1: memref<256x16xf32, #tpu.memory_space<vmem>>, %arg2: memref<256x16xf32, #tpu.memory_space<vmem>>, %arg3: memref<256x400xf32, #tpu.memory_space<vmem>>, %arg4: memref<400x128xf32, #tpu.memory_space<vmem>>, %arg5: memref<256x64xf32, #tpu.memory_space<vmem>>, %arg6: memref<256x64xf32, #tpu.memory_space<vmem>>) attributes {dimension_semantics = [#tpu.dimension_semantics<arbitrary>], iteration_bounds = array<i64: 40>, scalar_prefetch = 0 : i64, scratch_operands = 0 : i64, tpu.core_type = #tpu.core_type<tc>, window_params = [{transform_indices = @transform_0, window_bounds = array<i64: 256, 16>}, {transform_indices = @transform_1, window_bounds = array<i64: 256, 16>}, {transform_indices = @transform_2, window_bounds = array<i64: 256, 400>}, {pipeline_mode = #tpu.pipeline_mode<synchronous>, transform_indices = @transform_3, window_bounds = array<i64: 400, 128>}, {transform_indices = @transform_4, window_bounds = array<i64: 256, 64>}, {transform_indices = @transform_5, window_bounds = array<i64: 256, 64>}]} {
    %get3A = arith.constant 0 : index
    %get3A_0 = arith.constant 0 : index
    %get3A_1 = vector.load %arg1[%get3A, %get3A_0] : memref<256x16xf32, #tpu.memory_space<vmem>>, vector<256x16xf32>
    %slice3A = vector.extract_strided_slice %get3A_1 {offsets = [0, 0], sizes = [256, 1], strides = [1, 1]} : vector<256x16xf32> to vector<256x1xf32>
    %get3A_2 = arith.constant 0 : index
    %get3A_3 = arith.constant 0 : index
    %get3A_4 = vector.load %arg2[%get3A_2, %get3A_3] : memref<256x16xf32, #tpu.memory_space<vmem>>, vector<256x16xf32>
    %slice3A_5 = vector.extract_strided_slice %get3A_4 {offsets = [0, 0], sizes = [256, 1], strides = [1, 1]} : vector<256x16xf32> to vector<256x1xf32>
    %add3A = arith.addf %slice3A, %slice3A_5 : vector<256x1xf32>
    %add3A_6 = arith.constant 1.000000e+00 : f32
    %add3A_7 = vector.broadcast %add3A_6 : f32 to vector<256x1xf32>
    %add3A_8 = arith.addf %add3A, %add3A_7 : vector<256x1xf32>
    %rsqrt3A = math.rsqrt %add3A_8 : vector<256x1xf32>
    %get3A_9 = arith.constant 0 : index
    %get3A_10 = arith.constant 0 : index
    %get3A_11 = vector.load %arg3[%get3A_9, %get3A_10] : memref<256x400xf32, #tpu.memory_space<vmem>>, vector<256x400xf32>
    %get3A_12 = arith.constant 0 : index
    %get3A_13 = arith.constant 0 : index
    %get3A_14 = vector.load %arg4[%get3A_12, %get3A_13] : memref<400x128xf32, #tpu.memory_space<vmem>>, vector<400x128xf32>
    %dot_general3A = arith.constant dense<0.000000e+00> : vector<256x128xf32>
    %dot_general3A_15 = tpu.matmul %get3A_11, %get3A_14, %dot_general3A {dimension_numbers = #tpu.dot_dimension_numbers<[1], [0], [0], [1], [0, 0, 1, 1], [], []>, transpose_lhs_hint = false} : vector<256x400xf32>, vector<400x128xf32>, vector<256x128xf32> -> vector<256x128xf32>
    %mul3A = vector.broadcast %rsqrt3A : vector<256x1xf32> to vector<256x128xf32>
    %mul3A_16 = arith.mulf %dot_general3A_15, %mul3A : vector<256x128xf32>
    %slice3A_17 = vector.extract_strided_slice %mul3A_16 {offsets = [0, 0], sizes = [256, 64], strides = [1, 1]} : vector<256x128xf32> to vector<256x64xf32>
    %swap3A = arith.constant 0 : index
    %swap3A_18 = arith.constant 0 : index
    %swap3A_19 = vector.load %arg5[%swap3A, %swap3A_18] : memref<256x64xf32, #tpu.memory_space<vmem>>, vector<256x64xf32>
    tpu.vector_store %arg5[%swap3A, %swap3A_18], %slice3A_17 {strides = array<i32>} : memref<256x64xf32, #tpu.memory_space<vmem>>, vector<256x64xf32>,
    %slice3A_20 = vector.extract_strided_slice %mul3A_16 {offsets = [0, 64], sizes = [256, 64], strides = [1, 1]} : vector<256x128xf32> to vector<256x64xf32>
    %swap3A_21 = arith.constant 0 : index
    %swap3A_22 = arith.constant 0 : index
    %swap3A_23 = vector.load %arg6[%swap3A_21, %swap3A_22] : memref<256x64xf32, #tpu.memory_space<vmem>>, vector<256x64xf32>
    tpu.vector_store %arg6[%swap3A_21, %swap3A_22], %slice3A_20 {strides = array<i32>} : memref<256x64xf32, #tpu.memory_space<vmem>>, vector<256x64xf32>,
    return
  }
  func.func @transform_0(%arg0: i32) -> (i32, i32) {
    %c0_i32 = arith.constant 0 : i32
    %c0_i32_0 = arith.constant 0 : i32
    return %arg0, %c0_i32 : i32, i32
  }
  func.func @transform_1(%arg0: i32) -> (i32, i32) {
    %add3A = arith.constant 40 : i32
    %add3A_0 = arith.addi %arg0, %add3A : i32
    %c0_i32 = arith.constant 0 : i32
    %c0_i32_1 = arith.constant 0 : i32
    return %add3A_0, %c0_i32 : i32, i32
  }
  func.func @transform_2(%arg0: i32) -> (i32, i32) {
    %c0_i32 = arith.constant 0 : i32
    %c0_i32_0 = arith.constant 0 : i32
    return %arg0, %c0_i32 : i32, i32
  }
  func.func @transform_3(%arg0: i32) -> (i32, i32) {
    %c0_i32 = arith.constant 0 : i32
    %c0_i32_0 = arith.constant 0 : i32
    %c0_i32_1 = arith.constant 0 : i32
    return %c0_i32, %c0_i32_0 : i32, i32
  }
  func.func @transform_4(%arg0: i32) -> (i32, i32) {
    %c0_i32 = arith.constant 0 : i32
    %c0_i32_0 = arith.constant 0 : i32
    return %arg0, %c0_i32 : i32, i32
  }
  func.func @transform_5(%arg0: i32) -> (i32, i32) {
    %c0_i32 = arith.constant 0 : i32
    %c0_i32_0 = arith.constant 0 : i32
    return %arg0, %c0_i32 : i32, i32
  }
}

module attributes {stable_mosaic.version = 14 : i64} {
  func.func @_mid_body(%arg0: i32, %arg1: memref<256x16xf32, #tpu.memory_space<vmem>>, %arg2: memref<256x16xf32, #tpu.memory_space<vmem>>, %arg3: memref<256x64xf32, #tpu.memory_space<vmem>>, %arg4: memref<256x64xf32, #tpu.memory_space<vmem>>, %arg5: memref<256x64xf32, #tpu.memory_space<vmem>>, %arg6: memref<256x64xf32, #tpu.memory_space<vmem>>, %arg7: memref<256x64xf32, #tpu.memory_space<vmem>>, %arg8: memref<256x64xf32, #tpu.memory_space<vmem>>, %arg9: memref<1x128xf32, #tpu.memory_space<vmem>>, %arg10: memref<128x64xf32, #tpu.memory_space<vmem>>, %arg11: memref<256x64xf32, #tpu.memory_space<vmem>>) attributes {dimension_semantics = [#tpu.dimension_semantics<arbitrary>], iteration_bounds = array<i64: 40>, scalar_prefetch = 0 : i64, scratch_operands = 0 : i64, tpu.core_type = #tpu.core_type<tc>, window_params = [{transform_indices = @transform_0, window_bounds = array<i64: 256, 16>}, {transform_indices = @transform_1, window_bounds = array<i64: 256, 16>}, {transform_indices = @transform_2, window_bounds = array<i64: 256, 64>}, {transform_indices = @transform_3, window_bounds = array<i64: 256, 64>}, {transform_indices = @transform_4, window_bounds = array<i64: 256, 64>}, {transform_indices = @transform_5, window_bounds = array<i64: 256, 64>}, {transform_indices = @transform_6, window_bounds = array<i64: 256, 64>}, {transform_indices = @transform_7, window_bounds = array<i64: 256, 64>}, {pipeline_mode = #tpu.pipeline_mode<synchronous>, transform_indices = @transform_8, window_bounds = array<i64: 1, 128>}, {pipeline_mode = #tpu.pipeline_mode<synchronous>, transform_indices = @transform_9, window_bounds = array<i64: 128, 64>}, {transform_indices = @transform_10, window_bounds = array<i64: 256, 64>}]} {
    %get3A = arith.constant 0 : index
    %get3A_0 = arith.constant 0 : index
    %get3A_1 = vector.load %arg1[%get3A, %get3A_0] : memref<256x16xf32, #tpu.memory_space<vmem>>, vector<256x16xf32>
    %slice3A = vector.extract_strided_slice %get3A_1 {offsets = [0, 0], sizes = [256, 1], strides = [1, 1]} : vector<256x16xf32> to vector<256x1xf32>
    %get3A_2 = arith.constant 0 : index
    %get3A_3 = arith.constant 0 : index
    %get3A_4 = vector.load %arg2[%get3A_2, %get3A_3] : memref<256x16xf32, #tpu.memory_space<vmem>>, vector<256x16xf32>
    %slice3A_5 = vector.extract_strided_slice %get3A_4 {offsets = [0, 0], sizes = [256, 1], strides = [1, 1]} : vector<256x16xf32> to vector<256x1xf32>
    %add3A = arith.addf %slice3A, %slice3A_5 : vector<256x1xf32>
    %add3A_6 = arith.constant 1.000000e+00 : f32
    %add3A_7 = vector.broadcast %add3A_6 : f32 to vector<256x1xf32>
    %add3A_8 = arith.addf %add3A, %add3A_7 : vector<256x1xf32>
    %rsqrt3A = math.rsqrt %add3A_8 : vector<256x1xf32>
    %get3A_9 = arith.constant 0 : index
    %get3A_10 = arith.constant 0 : index
    %get3A_11 = vector.load %arg3[%get3A_9, %get3A_10] : memref<256x64xf32, #tpu.memory_space<vmem>>, vector<256x64xf32>
    %get3A_12 = arith.constant 0 : index
    %get3A_13 = arith.constant 0 : index
    %get3A_14 = vector.load %arg4[%get3A_12, %get3A_13] : memref<256x64xf32, #tpu.memory_space<vmem>>, vector<256x64xf32>
    %add3A_15 = arith.addf %get3A_11, %get3A_14 : vector<256x64xf32>
    %get3A_16 = arith.constant 0 : index
    %get3A_17 = arith.constant 0 : index
    %get3A_18 = vector.load %arg7[%get3A_16, %get3A_17] : memref<256x64xf32, #tpu.memory_space<vmem>>, vector<256x64xf32>
    %add3A_19 = arith.addf %add3A_15, %get3A_18 : vector<256x64xf32>
    %mul3A = vector.broadcast %rsqrt3A : vector<256x1xf32> to vector<256x64xf32>
    %mul3A_20 = arith.mulf %mul3A, %add3A_19 : vector<256x64xf32>
    %get3A_21 = arith.constant 0 : index
    %get3A_22 = arith.constant 0 : index
    %get3A_23 = vector.load %arg9[%get3A_21, %get3A_22] : memref<1x128xf32, #tpu.memory_space<vmem>>, vector<1x64xf32>
    %add3A_24 = vector.broadcast %get3A_23 : vector<1x64xf32> to vector<256x64xf32>
    %add3A_25 = arith.addf %mul3A_20, %add3A_24 : vector<256x64xf32>
    %get3A_26 = arith.constant 0 : index
    %get3A_27 = arith.constant 0 : index
    %get3A_28 = vector.load %arg5[%get3A_26, %get3A_27] : memref<256x64xf32, #tpu.memory_space<vmem>>, vector<256x64xf32>
    %get3A_29 = arith.constant 0 : index
    %get3A_30 = arith.constant 0 : index
    %get3A_31 = vector.load %arg6[%get3A_29, %get3A_30] : memref<256x64xf32, #tpu.memory_space<vmem>>, vector<256x64xf32>
    %add3A_32 = arith.addf %get3A_28, %get3A_31 : vector<256x64xf32>
    %get3A_33 = arith.constant 0 : index
    %get3A_34 = arith.constant 0 : index
    %get3A_35 = vector.load %arg8[%get3A_33, %get3A_34] : memref<256x64xf32, #tpu.memory_space<vmem>>, vector<256x64xf32>
    %add3A_36 = arith.addf %add3A_32, %get3A_35 : vector<256x64xf32>
    %mul3A_37 = vector.broadcast %rsqrt3A : vector<256x1xf32> to vector<256x64xf32>
    %mul3A_38 = arith.mulf %mul3A_37, %add3A_36 : vector<256x64xf32>
    %get3A_39 = arith.constant 0 : index
    %get3A_40 = arith.constant 64 : index
    %get3A_41 = vector.load %arg9[%get3A_39, %get3A_40] : memref<1x128xf32, #tpu.memory_space<vmem>>, vector<1x64xf32>
    %add3A_42 = vector.broadcast %get3A_41 : vector<1x64xf32> to vector<256x64xf32>
    %add3A_43 = arith.addf %mul3A_38, %add3A_42 : vector<256x64xf32>
    %concatenate3A = tpu.concatenate %add3A_25, %add3A_43 in 1 : vector<256x64xf32>, vector<256x64xf32> -> vector<256x128xf32>
    %max3A = arith.constant 0.000000e+00 : f32
    %max3A_44 = vector.broadcast %max3A : f32 to vector<256x128xf32>
    %max3A_45 = arith.maximumf %concatenate3A, %max3A_44 : vector<256x128xf32>
    %get3A_46 = arith.constant 0 : index
    %get3A_47 = arith.constant 0 : index
    %get3A_48 = vector.load %arg10[%get3A_46, %get3A_47] : memref<128x64xf32, #tpu.memory_space<vmem>>, vector<128x64xf32>
    %dot_general3A = arith.constant dense<0.000000e+00> : vector<256x64xf32>
    %dot_general3A_49 = tpu.matmul %max3A_45, %get3A_48, %dot_general3A {dimension_numbers = #tpu.dot_dimension_numbers<[1], [0], [0], [1], [0, 0, 1, 1], [], []>, transpose_lhs_hint = false} : vector<256x128xf32>, vector<128x64xf32>, vector<256x64xf32> -> vector<256x64xf32>
    %mul3A_50 = vector.broadcast %rsqrt3A : vector<256x1xf32> to vector<256x64xf32>
    %mul3A_51 = arith.mulf %dot_general3A_49, %mul3A_50 : vector<256x64xf32>
    %swap3A = arith.constant 0 : index
    %swap3A_52 = arith.constant 0 : index
    %swap3A_53 = vector.load %arg11[%swap3A, %swap3A_52] : memref<256x64xf32, #tpu.memory_space<vmem>>, vector<256x64xf32>
    tpu.vector_store %arg11[%swap3A, %swap3A_52], %mul3A_51 {strides = array<i32>} : memref<256x64xf32, #tpu.memory_space<vmem>>, vector<256x64xf32>,
    return
  }
  func.func @transform_0(%arg0: i32) -> (i32, i32) {
    %c0_i32 = arith.constant 0 : i32
    %c0_i32_0 = arith.constant 0 : i32
    return %arg0, %c0_i32 : i32, i32
  }
  func.func @transform_1(%arg0: i32) -> (i32, i32) {
    %add3A = arith.constant 40 : i32
    %add3A_0 = arith.addi %arg0, %add3A : i32
    %c0_i32 = arith.constant 0 : i32
    %c0_i32_1 = arith.constant 0 : i32
    return %add3A_0, %c0_i32 : i32, i32
  }
  func.func @transform_2(%arg0: i32) -> (i32, i32) {
    %c0_i32 = arith.constant 0 : i32
    %c0_i32_0 = arith.constant 0 : i32
    return %arg0, %c0_i32 : i32, i32
  }
  func.func @transform_3(%arg0: i32) -> (i32, i32) {
    %add3A = arith.constant 40 : i32
    %add3A_0 = arith.addi %arg0, %add3A : i32
    %c0_i32 = arith.constant 0 : i32
    %c0_i32_1 = arith.constant 0 : i32
    return %add3A_0, %c0_i32 : i32, i32
  }
  func.func @transform_4(%arg0: i32) -> (i32, i32) {
    %c0_i32 = arith.constant 0 : i32
    %c0_i32_0 = arith.constant 0 : i32
    return %arg0, %c0_i32 : i32, i32
  }
  func.func @transform_5(%arg0: i32) -> (i32, i32) {
    %add3A = arith.constant 40 : i32
    %add3A_0 = arith.addi %arg0, %add3A : i32
    %c0_i32 = arith.constant 0 : i32
    %c0_i32_1 = arith.constant 0 : i32
    return %add3A_0, %c0_i32 : i32, i32
  }
  func.func @transform_6(%arg0: i32) -> (i32, i32) {
    %c0_i32 = arith.constant 0 : i32
    %c0_i32_0 = arith.constant 0 : i32
    return %arg0, %c0_i32 : i32, i32
  }
  func.func @transform_7(%arg0: i32) -> (i32, i32) {
    %c0_i32 = arith.constant 0 : i32
    %c0_i32_0 = arith.constant 0 : i32
    return %arg0, %c0_i32 : i32, i32
  }
  func.func @transform_8(%arg0: i32) -> (i32, i32) {
    %c0_i32 = arith.constant 0 : i32
    %c0_i32_0 = arith.constant 0 : i32
    %c0_i32_1 = arith.constant 0 : i32
    return %c0_i32, %c0_i32_0 : i32, i32
  }
  func.func @transform_9(%arg0: i32) -> (i32, i32) {
    %c0_i32 = arith.constant 0 : i32
    %c0_i32_0 = arith.constant 0 : i32
    %c0_i32_1 = arith.constant 0 : i32
    return %c0_i32, %c0_i32_0 : i32, i32
  }
  func.func @transform_10(%arg0: i32) -> (i32, i32) {
    %c0_i32 = arith.constant 0 : i32
    %c0_i32_0 = arith.constant 0 : i32
    return %arg0, %c0_i32 : i32, i32
  }
}

module attributes {stable_mosaic.version = 14 : i64} {
  func.func @_fin_body(%arg0: i32, %arg1: memref<256x16xf32, #tpu.memory_space<vmem>>, %arg2: memref<256x16xf32, #tpu.memory_space<vmem>>, %arg3: memref<256x64xf32, #tpu.memory_space<vmem>>, %arg4: memref<256x64xf32, #tpu.memory_space<vmem>>, %arg5: memref<256x64xf32, #tpu.memory_space<vmem>>, %arg6: memref<1x64xf32, #tpu.memory_space<vmem>>, %arg7: memref<256x64xf32, #tpu.memory_space<vmem>>) attributes {dimension_semantics = [#tpu.dimension_semantics<arbitrary>], iteration_bounds = array<i64: 40>, scalar_prefetch = 0 : i64, scratch_operands = 0 : i64, tpu.core_type = #tpu.core_type<tc>, window_params = [{transform_indices = @transform_0, window_bounds = array<i64: 256, 16>}, {transform_indices = @transform_1, window_bounds = array<i64: 256, 16>}, {transform_indices = @transform_2, window_bounds = array<i64: 256, 64>}, {transform_indices = @transform_3, window_bounds = array<i64: 256, 64>}, {transform_indices = @transform_4, window_bounds = array<i64: 256, 64>}, {pipeline_mode = #tpu.pipeline_mode<synchronous>, transform_indices = @transform_5, window_bounds = array<i64: 1, 64>}, {transform_indices = @transform_6, window_bounds = array<i64: 256, 64>}]} {
    %get3A = arith.constant 0 : index
    %get3A_0 = arith.constant 0 : index
    %get3A_1 = vector.load %arg1[%get3A, %get3A_0] : memref<256x16xf32, #tpu.memory_space<vmem>>, vector<256x16xf32>
    %slice3A = vector.extract_strided_slice %get3A_1 {offsets = [0, 0], sizes = [256, 1], strides = [1, 1]} : vector<256x16xf32> to vector<256x1xf32>
    %get3A_2 = arith.constant 0 : index
    %get3A_3 = arith.constant 0 : index
    %get3A_4 = vector.load %arg2[%get3A_2, %get3A_3] : memref<256x16xf32, #tpu.memory_space<vmem>>, vector<256x16xf32>
    %slice3A_5 = vector.extract_strided_slice %get3A_4 {offsets = [0, 0], sizes = [256, 1], strides = [1, 1]} : vector<256x16xf32> to vector<256x1xf32>
    %add3A = arith.addf %slice3A, %slice3A_5 : vector<256x1xf32>
    %add3A_6 = arith.constant 1.000000e+00 : f32
    %add3A_7 = vector.broadcast %add3A_6 : f32 to vector<256x1xf32>
    %add3A_8 = arith.addf %add3A, %add3A_7 : vector<256x1xf32>
    %rsqrt3A = math.rsqrt %add3A_8 : vector<256x1xf32>
    %get3A_9 = arith.constant 0 : index
    %get3A_10 = arith.constant 0 : index
    %get3A_11 = vector.load %arg3[%get3A_9, %get3A_10] : memref<256x64xf32, #tpu.memory_space<vmem>>, vector<256x64xf32>
    %get3A_12 = arith.constant 0 : index
    %get3A_13 = arith.constant 0 : index
    %get3A_14 = vector.load %arg4[%get3A_12, %get3A_13] : memref<256x64xf32, #tpu.memory_space<vmem>>, vector<256x64xf32>
    %add3A_15 = arith.addf %get3A_11, %get3A_14 : vector<256x64xf32>
    %get3A_16 = arith.constant 0 : index
    %get3A_17 = arith.constant 0 : index
    %get3A_18 = vector.load %arg5[%get3A_16, %get3A_17] : memref<256x64xf32, #tpu.memory_space<vmem>>, vector<256x64xf32>
    %add3A_19 = arith.addf %add3A_15, %get3A_18 : vector<256x64xf32>
    %mul3A = vector.broadcast %rsqrt3A : vector<256x1xf32> to vector<256x64xf32>
    %mul3A_20 = arith.mulf %mul3A, %add3A_19 : vector<256x64xf32>
    %get3A_21 = arith.constant 0 : index
    %get3A_22 = arith.constant 0 : index
    %get3A_23 = vector.load %arg6[%get3A_21, %get3A_22] : memref<1x64xf32, #tpu.memory_space<vmem>>, vector<1x64xf32>
    %add3A_24 = vector.broadcast %get3A_23 : vector<1x64xf32> to vector<256x64xf32>
    %add3A_25 = arith.addf %mul3A_20, %add3A_24 : vector<256x64xf32>
    %swap3A = arith.constant 0 : index
    %swap3A_26 = arith.constant 0 : index
    %swap3A_27 = vector.load %arg7[%swap3A, %swap3A_26] : memref<256x64xf32, #tpu.memory_space<vmem>>, vector<256x64xf32>
    tpu.vector_store %arg7[%swap3A, %swap3A_26], %add3A_25 {strides = array<i32>} : memref<256x64xf32, #tpu.memory_space<vmem>>, vector<256x64xf32>,
    return
  }
  func.func @transform_0(%arg0: i32) -> (i32, i32) {
    %c0_i32 = arith.constant 0 : i32
    %c0_i32_0 = arith.constant 0 : i32
    return %arg0, %c0_i32 : i32, i32
  }
  func.func @transform_1(%arg0: i32) -> (i32, i32) {
    %add3A = arith.constant 40 : i32
    %add3A_0 = arith.addi %arg0, %add3A : i32
    %c0_i32 = arith.constant 0 : i32
    %c0_i32_1 = arith.constant 0 : i32
    return %add3A_0, %c0_i32 : i32, i32
  }
  func.func @transform_2(%arg0: i32) -> (i32, i32) {
    %c0_i32 = arith.constant 0 : i32
    %c0_i32_0 = arith.constant 0 : i32
    return %arg0, %c0_i32 : i32, i32
  }
  func.func @transform_3(%arg0: i32) -> (i32, i32) {
    %add3A = arith.constant 40 : i32
    %add3A_0 = arith.addi %arg0, %add3A : i32
    %c0_i32 = arith.constant 0 : i32
    %c0_i32_1 = arith.constant 0 : i32
    return %add3A_0, %c0_i32 : i32, i32
  }
  func.func @transform_4(%arg0: i32) -> (i32, i32) {
    %c0_i32 = arith.constant 0 : i32
    %c0_i32_0 = arith.constant 0 : i32
    return %arg0, %c0_i32 : i32, i32
  }
  func.func @transform_5(%arg0: i32) -> (i32, i32) {
    %c0_i32 = arith.constant 0 : i32
    %c0_i32_0 = arith.constant 0 : i32
    %c0_i32_1 = arith.constant 0 : i32
    return %c0_i32, %c0_i32_0 : i32, i32
  }
  func.func @transform_6(%arg0: i32) -> (i32, i32) {
    %c0_i32 = arith.constant 0 : i32
    %c0_i32_0 = arith.constant 0 : i32
    return %arg0, %c0_i32 : i32, i32
  }
}

</mosaic_0001>

<sc_bundles>
// kernel: kernel.11.cloned.1.call-start
scs
__scs_entry_jumppad:
0x0: {  	(pc) =	sbr.rel $0x88, $3  }
0x1: {  	(tag) =	ssettag $0x0;
	lr =	simm.s32 $0x1  }
0x2: {  	[smem:$0x3F9B] =	sst lr;
	_ =	strace $0xD0000000  }
0x3: {  	_ = 	snop  }
0x4: {  	_ = 	snop  }
0x5: {  	_ = 	snop  }
0x6: {  	_ = 	snop  }
0x7: {  	_ = 	snop  }
__scs_overlays_trampoline_lowered:
0x8: {  	[smem:$0x3FAA] =	sst s0  }
0x9: {  	[smem:$0x3FAB] =	sst s1  }
0xa: {  	[smem:$0x3FAC] =	sst s2  }
0xb: {  	[smem:$0x3FAD] =	sst s3  }
0xc: {  	[smem:$0x3FAE] =	sst s4  }
0xd: {  	[smem:$0x3FAF] =	sst s5  }
0xe: {  	[smem:$0x3FB0] =	sst s6  }
0xf: {  	[smem:$0x3FB1] =	sst s7  }
0x10: {  	[smem:$0x3FB2] =	sst s8  }
0x11: {  	[smem:$0x3FB3] =	sst s9;
	s0 =	simm.s32 @!p0 $0x0  }
0x12: {  	s1 =	sld [smem:$0x3F99];
	s0 =	simm.s32 @p0 $0x1  }
0x13: {  	[smem:$0x3FB4] =	sst s0;
	s0 =	simm.s32 @!p1 $0x0  }
0x14: {  	s2 =	sld [smem:$0x3F98];
	s0 =	simm.s32 @p1 $0x1  }
0x15: {  	[smem:$0x3FB5] =	sst s0;
	s0 =	simm.s32 @!p2 $0x0  }
0x16: {  	s3 =	sld [smem:$0x3FDB];
	s0 =	simm.s32 @p2 $0x1  }
0x17: {  	s4 =	simm.s32 $0x1BF5;
	[smem:$0x3FB7] =	sst s0  }
0x18: {  	s0 =	sld [smem:$0x3F9A];
	_ =	swait.ge [sflag:s4], $0x0  }
0x19: {  	s7 =	sld [smem:$0x3F9B]  }
0x1a: {  	s8 =	sadd.s32 $0xFFFFE003, lr  }
0x1b: {  	s9 =	sadd.s32 $0xFFFFFEF7, lr;
	s5 =	simm.s32 $0xFFFFFFFF;
	p2 =	slt.u32 s8, $0xFFFFF086  }
0x1c: {  	p1 =	slt.u32 s9, $0xF7A;
	s5 =	simm.s32 @!p2 $0x0  }
0x1d: {  	s5 =	simm.s32 @p1 $0x1;
	p0 =	seq.s32 s7, s2  }
0x1e: {  	s7 =	smul.u32 @!p0 $0xF7A, s2;
	p2 =	seq.s32 @!p0 s5, $0x0  }
0x1f: {  	s9 =	smul.u32 $0xF7A, s1;
	s8 =	simm.s32 @!p0 $0x1BF5;
	p2 =	por !p2, p0  }
0x20: {  	[sflag:s8] =	ssyncset.s32 @!p0 $0xFFFFF086;
	s6 =	sadd.s32 @!p0 s3, s7;
	s7 =	simm.s32 @!p0 $0x108  }
0x21: {  	s3 =	sadd.s32 s3, s9;
	s6 =	sadd.s32 @!p0 $0x88, s6;
	s7 =	simm.s32 @p2 $0x1082  }
0x22: {  	[simem:s7], [sflag:s8] =	dma.local @!p0 [hbm:s6], $0xF7A  }
0x23: {  	s9 =	sor.u32 $0xD0000000, s2;
	s6 =	simm.s32 $0x108;
	_ =	swait.ge @!p0 [sflag:s8], $0x0  }
0x24: {  	s3 =	sadd.s32 $0x88, s3;
	s6 =	simm.s32 @!p1 $0x1082;
	[sflag:s4] =	ssyncset.s32 $0xFFFFF086  }
0x25: {  	[simem:s6], [sflag:s4] =	dma.local [hbm:s3], $0xF7A  }
0x26: {  	[smem:$0x3F9B] =	sst s1;
	(tag) =	ssettag s2;
	_ =	strace s9  }
0x27: {  	s1 =	sld [smem:$0x3FAB]  }
0x28: {  	s2 =	sld [smem:$0x3FAC]  }
0x29: {  	s4 =	sld [smem:$0x3FAE]  }
0x2a: {  	p0 =	seq.s32 s5, $0x0;
	s5 =	sld [smem:$0x3FAF]  }
0x2b: {  	s6 =	sld [smem:$0x3FB0]  }
0x2c: {  	s7 =	sld [smem:$0x3FB1]  }
0x2d: {  	s3 =	simm.s32 $0x108;
	s8 =	sld [smem:$0x3FB2]  }
0x2e: {  	s3 =	simm.s32 @!p0 $0x1082;
	s9 =	sld [smem:$0x3FB3]  }
0x2f: {  	lr =	sadd.s32 s0, s3;
	s0 =	sld [smem:$0x3FAA]  }
0x30: {  	s3 =	sld [smem:$0x3FAD]  }
0x31: {  	[smem:$0x3FB6] =	sst s10  }
0x32: {  	s10 =	sld [smem:$0x3FB4];
	_ =	sdelay $0x3  }
0x33: {  	p0 =	seq.s32 s10, $0x1;
	s10 =	sld [smem:$0x3FB6];
	_ =	sdelay $0x3  }
0x34: {  	[smem:$0x3FB6] =	sst s10  }
0x35: {  	s10 =	sld [smem:$0x3FB5];
	_ =	sdelay $0x3  }
0x36: {  	p1 =	seq.s32 s10, $0x1;
	s10 =	sld [smem:$0x3FB6];
	_ =	sdelay $0x3  }
0x37: {  	[smem:$0x3FB6] =	sst s10  }
0x38: {  	s10 =	sld [smem:$0x3FB7]  }
0x39: {  	_ = 	snop;
	(pc) =	sbr.ind lr, $3  }
0x3a: {  	_ = 	snop  }
0x3b: {  	_ = 	snop  }
0x3c: {  	p2 =	seq.s32 s10, $0x1;
	s10 =	sld [smem:$0x3FB6]  }
0x3d: {  	_ =	shalt  }
0x3e: {  	_ =	shalt  }
0x3f: {  	_ =	shalt  }
0x40: {  	_ =	shalt  }
0x41: {  	_ =	shalt  }
0x42: {  	_ =	shalt  }
0x43: {  	_ =	shalt  }
0x44: {  	_ =	shalt  }
0x45: {  	_ =	shalt  }
0x46: {  	_ =	shalt  }
0x47: {  	_ =	shalt  }
0x48: {  	_ =	shalt  }
0x49: {  	_ =	shalt  }
0x4a: {  	_ =	shalt  }
0x4b: {  	_ =	shalt  }
0x4c: {  	_ =	shalt  }
0x4d: {  	_ =	shalt  }
0x4e: {  	_ =	shalt  }
0x4f: {  	_ =	shalt  }
0x50: {  	_ =	shalt  }
0x51: {  	_ =	shalt  }
0x52: {  	_ =	shalt  }
0x53: {  	_ =	shalt  }
0x54: {  	_ =	shalt  }
0x55: {  	_ =	shalt  }
0x56: {  	_ =	shalt  }
0x57: {  	_ =	shalt  }
0x58: {  	_ =	shalt  }
0x59: {  	_ =	shalt  }
0x5a: {  	_ =	shalt  }
0x5b: {  	_ =	shalt  }
0x5c: {  	_ =	shalt  }
0x5d: {  	_ =	shalt  }
0x5e: {  	_ =	shalt  }
0x5f: {  	_ =	shalt  }
0x60: {  	_ =	shalt  }
0x61: {  	_ =	shalt  }
0x62: {  	_ =	shalt  }
0x63: {  	_ =	shalt  }
0x64: {  	_ =	shalt  }
0x65: {  	_ =	shalt  }
0x66: {  	_ =	shalt  }
0x67: {  	_ =	shalt  }
0x68: {  	_ =	shalt  }
0x69: {  	_ =	shalt  }
0x6a: {  	_ =	shalt  }
0x6b: {  	_ =	shalt  }
0x6c: {  	_ =	shalt  }
0x6d: {  	_ =	shalt  }
0x6e: {  	_ =	shalt  }
0x6f: {  	_ =	shalt  }
0x70: {  	_ =	shalt  }
0x71: {  	_ =	shalt  }
0x72: {  	_ =	shalt  }
0x73: {  	_ =	shalt  }
0x74: {  	_ =	shalt  }
0x75: {  	_ =	shalt  }
0x76: {  	_ =	shalt  }
0x77: {  	_ =	shalt  }
0x78: {  	_ =	shalt  }
0x79: {  	_ =	shalt  }
0x7a: {  	_ =	shalt  }
0x7b: {  	_ =	shalt  }
0x7c: {  	_ =	shalt  }
0x7d: {  	_ =	shalt  }
0x7e: {  	_ =	shalt  }
0x7f: {  	_ =	shalt  }
0x80: {  	_ =	shalt  }
0x81: {  	_ =	shalt  }
0x82: {  	_ =	shalt  }
0x83: {  	_ =	shalt  }
0x84: {  	_ =	shalt  }
0x85: {  	_ =	shalt  }
0x86: {  	_ =	shalt  }
0x87: {  	_ =	shalt  }
.Lfunc_end0:
.L_simem_size_0:
called_computation.1_lowered:
.L_overlay_start_0:
0x88: {  	s2 =	sld [smem:$0x3FD9]  }
0x89: {  	s3 =	sld [smem:$0x3FFE];
	_ =	sdelay $0x1  }
0x8a: {  	s1 =	srdreg.scid  }
0x8b: {  	s0 =	sand.u32 $0x1, s1  }
0x8c: {  	s16 =	sshll.u32 s0, $0xA;
	s2 =	sadd.s32 s3, s2  }
0x8d: {  	s2 =	sadd.s32 s2, s16  }
0x8e: {  	[smem:$0x3FC2] =	sst s2  }
0x8f: {  	_ = 	snop  }
0x90: {  	(tm) =	ssettm $0x1  }
0x91: {  	s17 =	sld [smem:$0x3FFB];
	_ =	sdelay $0x3  }
0x92: {  	_ =	strace s17  }
0x93: {  	s2 =	sld [smem:$0x3FFC];
	_ =	sdelay $0x3  }
0x94: {  	_ =	strace s2  }
0x95: {  	s2 =	sld [smem:$0x3FFD];
	_ =	sdelay $0x3  }
0x96: {  	_ =	strace s2  }
0x97: {  	_ =	strace $0x8FFFFFFF  }
0x98: {  	s18 =	sld [smem:$0x3FDB];
	_ =	sdelay $0x1  }
0x99: {  	s19 =	simm.s32 $_scs_section_size  }
0x9a: {  	s4 =	simm.s32 $_size__tile_overlayer_lowered;
	s5 =	simm.s32 $_tile_overlayer_lowered  }
0x9b: {  	s22 =	simm.s32 $0x1BFF;
	s21 =	sshll.u32 s5, $0x1;
	s2 =	sadd.s32 s19, s18  }
0x9c: {  	s6 =	simm.s32 $0x0;
	s20 =	sshll.u32 s4, $0x1;
	s4 =	sadd.s32 s21, s2  }
0x9d: {  	[timem:s6], [sflag:s22] =	dma.local [hbm:s4], s20  }
0x9e: {  	_ =	swait.ge [sflag:s22], s20  }
0x9f: {  	s3 =	ssub.s32 $0x0, s20;
	[sflag:s22] =	ssyncset.done $0x0  }
0xa0: {  	[sflag:s22] =	ssyncadd.s32 s3;
	_ =	sdelay $0x1  }
0xa1: {  	s23 =	simm.s32 $0x1B8B  }
0xa2: {  	_ =	swait.ge [sflag:s23], $0x1  }
0xa3: {  	[sflag:s23] =	ssyncset.done $0x0  }
0xa4: {  	s25 =	simm.s32 $0x1B8E;
	s24 =	sld [smem:$0x3FFE];
	[sflag:s23] =	ssyncadd.s32 $0xFFFFFFFF  }
0xa5: {  	s26 =	simm.s32 $execute0_lowered;
	[smem:$0x3FD2] =	sst s25  }
0xa6: {  	s4 =	sshll.u32 s26, $0x1;
	_ =	strace $0x80000049;
	[dreg:$0x1] =	wrdreg $0xFFFFFFFF  }
0xa7: {  	s28 =	simm.s32 $_size_execute0_lowered;
	s2 =	sadd.s32 s2, s4;
	[dreg:$0x0] =	wrdreg $0x0  }
0xa8: {  	s4 =	sshll.u32 s28, $0x1;
	[dreg:$0x2] =	wrdreg s2  }
0xa9: {  	[dreg:$0x3] =	wrdreg s4  }
0xaa: {  	[dreg:$0x4] =	wrdreg $0xC0  }
0xab: {  	_ =	task [dreg:s6], $0x5FFFF  }
0xac: {  	[dreg:$0x1] =	wrdreg $0xFFFFFFFF  }
0xad: {  	[dreg:$0x0] =	wrdreg $0x60  }
0xae: {  	[dreg:$0x2] =	wrdreg s24  }
0xaf: {  	[dreg:$0x3] =	wrdreg $0x78000  }
0xb0: {  	[dreg:$0x4] =	wrdreg $0x118000  }
0xb1: {  	[dreg:$0x5] =	wrdreg $0x9  }
0xb2: {  	_ =	task.clear_ibuf [dreg:s6], $0x6FFFF;
	_ =	strace $0x90000049  }
0xb3: {  	s29 =	simm.s32 $0x9;
	_ =	strace $0x8000004B  }
0xb4: {  	_ =	swait.ge [sflag:s29], $0x1  }
0xb5: {  	[sflag:s29] =	ssyncadd.s32 $0xFFFFFFFF  }
0xb6: {  	_ =	strace $0x9000004B  }
0xb7: {  	_ =	sfence  }
0xb8: {  	s30 =	sld [smem:$0x0];
	_ =	sdelay $0x2  }
0xb9: {  	s31 =	sshll.u32 s1, $0xD;
	s1 =	sshrl.u32 s1, $0x2  }
0xba: {  	s3 =	sand.u32 $0x4000, s31;
	s1 =	sadd.s32 s1, s30  }
0xbb: {  	s0 =	sor.u32 s3, s0;
	s1 =	sshll.u32 s1, $0x11  }
0xbc: {  	s0 =	sor.u32 s1, s0  }
0xbd: {  	s0 =	sadd.s32 $0x8F2B, s0  }
0xbe: {  	[sflag:s0] =	ssyncadd.remote.s32 $0x1  }
0xbf: {  	_ =	sfence.sel $0xFFFF  }
0xc0: {  	[dreg:$0x0] =	wrdreg $0xFFFFFFFF;
	(pc) =	sbr.abs _section_cstart, $3  }
0xc1: {  	[dreg:$0x1] =	wrdreg $0xFFFFFFFF  }
0xc2: {  	_ =	task.clear_ibuf [dreg:s6], $0x2FFFF;
	_ =	strace $0x9FFFFFFF  }
0xc3: {  	(tm) =	ssettm $0x7FFFFFFF  }
tec
execute0_lowered:
.L_overlay_start_1:
0x0: {  	(tag) =	ssettag $0x1  }
0x1: {  	s0 =	rddreg [dreg:$0x0]  }
0x2: {  	s2 =	rddreg [dreg:$0x1];
	s10 =	stileid.u32  }
0x3: {  	s1 =	srdreg.scid;
	s3 =	rddreg [dreg:$0x2]  }
0x4: {  	s8 =	simm.s32 $0x0;
	s28 =	simm.s32 $0x2800;
	s29 =	simm.s32 $0x1  }
0x5: {  	s30 =	simm.s32 $0x2;
	s31 =	simm.s32 $0x3;
	s4 =	smul.u32 $0xA000, s10  }
0x6: {  	s1 =	sand.u32 $0x1, s1;
	s6 =	smul.u32 $0x280, s10;
	[smem:$0x7FF] =	sst s8  }
0x7: {  	s19 =	smul.u32 $0x28000, s10;
	s8 =	sshll.u32 s10, $0x6;
	s5 =	sshll.u32 s1, $0x4  }
0x8: {  	s7 =	smul.u32 $0x2800, s1;
	_ =	strace $0x8000004A;
	s1 =	ssub.s32 $0x2, s1  }
0x9: {  	s5 =	sor.u32 s10, s5;
	s17 =	sshrl.u32 s4, $0x3;
	s18 =	sshrl.u32 s1, $0x1  }
0xa: {  	s21 =	sadd.s32 s4, s2;
	s22 =	sshrl.u32 s19, $0x2;
	s10 =	sor.u32 $0x1C02, s8  }
0xb: {  	s4 =	sadd.s32 s4, s3;
	s5 =	smul.u32 $0x280, s5;
	s9 =	sadd.s32 s17, s0  }
0xc: {  	s6 =	sadd.s32 s6, s7;
	s1 =	ssub.s32 s1, s18;
	[dreg:$0x6] =	wrdreg s21  }
0xd: {  	s11 =	sadd.s32 s22, s3;
	[dreg:$0x9] =	wrdreg s4;
	s4 =	simm.s32 $0x5800  }
0xe: {  	s7 =	simm.s32 $0x2780;
	s6 =	sshll.u32 s6, $0x3;
	s23 =	sadd.s32 $0xC200, s9  }
0xf: {  	s25 =	sadd.s32 $0x20200, s9;
	s26 =	smax.u32 s1, $0x1;
	s17 =	sadd.s32 $0x1000, s11  }
0x10: {  	s18 =	sadd.s32 $0x2000, s11;
	s19 =	sadd.s32 $0x3000, s11;
	s21 =	sadd.s32 $0x5000, s11  }
0x11: {  	s22 =	sadd.s32 $0x6000, s11;
	s1 =	simm.s32 $0x4;
	[dreg:$0x7] =	wrdreg s23  }
0x12: {  	s9 =	simm.s32 $0x0;
	s5 =	sadd.s32 s5, s0;
	[dreg:$0xa] =	wrdreg s25  }
0x13: {  	s0 =	sadd.s32 s6, s0;
	[dreg:$0xc] =	wrdreg s26;
	s20 =	sadd.s32 $0x2200, s5  }
0x14: {  	s23 =	sadd.s32 $0x7000, s11;
	s5 =	sadd.s32 $0x7200, s5;
	[dreg:$0x4] =	wrdreg s20  }
0x15: {  	s25 =	sadd.s32 $0x9000, s11;
	s24 =	sadd.s32 $0x5C200, s0;
	[dreg:$0x5] =	wrdreg s5  }
0x16: {  	s26 =	simm.s32 $0x3800;
	s0 =	sadd.s32 $0x34200, s0;
	[dreg:$0x8] =	wrdreg s24  }
0x17: {  	s6 =	simm.s32 $0x2700;
	[dreg:$0xb] =	wrdreg s0;
	s20 =	sadd.s32 $0x4000, s11  }
0x18: {  	v0 =	vimm.f32 $0.0e+00;
	s24 =	sadd.s32 $0x8000, s11;
	s0 =	simm.s32 $0x80;
	s5 =	simm.s32 $0x5  }
.LBB2_1:
0x19: {  	s13 =	simm.s32 $0x0  }
0x1a: {  	s12 =	sand.u32 $0x3F00, s13  }
0x1b: {  	s13 =	sand.u32 $0x30, s13;
	s14 =	sshrl.u32 s12, $0x2  }
0x1c: {  	s12 =	simm.s32 $0x40;
	s14 =	sor.u32 s13, s14;
	s13 =	simm.s32 $0x0  }
.LBB2_2:
0x1d: {  	p0 =	sne.s32 s12, $0x3FC0  }
0x1e: {  	[tilespmem:s14+$0x2800] =	vst v0;
	s13 =	sadd.s32 $0x10, s13;
	s14 =	smov.u32 s12;
	s12 =	sadd.s32 $0x40, s12  }
.Ltmp0:
0x1f: {  	(pc) =	sbr.rel @p0 .LBB2_2-.Ltmp0, $4  }
0x20: {  	_ = 	snop  }
0x21: {  	s14 =	sand.u32 $0x3F00, s14  }
0x22: {  	s15 =	sand.u32 $0x30, s13;
	s14 =	sshrl.u32 s14, $0x2  }
0x23: {  	s14 =	sor.u32 s15, s14  }
0x24: {  	s12 =	rddreg [dreg:$0x4]  }
0x25: {  	[tilespmem:s14+$0x2800] =	vst v0;
	s14 =	rddreg [dreg:$0x5]  }
0x26: {  	s13 =	simm.s32 $0x0;
	s16 =	simm.s32 $0x1400;
	s15 =	rddreg [dreg:$0x6]  }
0x27: {  	[tilespmem:s16], [sflag:$0x3] =	stream.linear.gather [hbm4b:s12+s13], $0x1400, $0x38;
	[tilespmem:$0x1B800] =	vst v63  }
0x28: {  	s12 =	sshrl.u32 s15, $0x3;
	s16 =	rddreg [dreg:$0x7]  }
0x29: {  	[tilespmem:s13], [sflag:$0x4] =	stream.linear.gather [hbm4b:s14+s13], $0x1400, $0x38;
	[tilespmem:$0x1B800] =	vst v63  }
0x2a: {  	[spmem:s12], [sflag:s10] =	dma.local [hbm:s16], $0x1400  }
0x2b: {  	[spmem:s11] =	stream.linear.scatter [tilespmem:s28], [sflag:$0x1], $0x1000, $0x38;
	[tilespmem:$0x1B800] =	vst v63  }
0x2c: {  	_ = 	snop  }
0x2d: {  	[spmem:s17] =	stream.linear.scatter [tilespmem:s28], [sflag:$0x1], $0x1000, $0x38;
	[tilespmem:$0x1B800] =	vst v63  }
0x2e: {  	_ = 	snop  }
0x2f: {  	[spmem:s18] =	stream.linear.scatter [tilespmem:s28], [sflag:$0x1], $0x1000, $0x38;
	[tilespmem:$0x1B800] =	vst v63  }
0x30: {  	_ = 	snop  }
0x31: {  	[spmem:s19] =	stream.linear.scatter [tilespmem:s28], [sflag:$0x1], $0x1000, $0x38;
	[tilespmem:$0x1B800] =	vst v63  }
0x32: {  	_ = 	snop  }
0x33: {  	[spmem:s20] =	stream.linear.scatter [tilespmem:s28], [sflag:$0x1], $0x1000, $0x38;
	[tilespmem:$0x1B800] =	vst v63  }
0x34: {  	_ = 	snop  }
0x35: {  	[spmem:s21] =	stream.linear.scatter [tilespmem:s28], [sflag:$0x1], $0x1000, $0x38;
	[tilespmem:$0x1B800] =	vst v63  }
0x36: {  	_ = 	snop  }
0x37: {  	[spmem:s22] =	stream.linear.scatter [tilespmem:s28], [sflag:$0x1], $0x1000, $0x38;
	[tilespmem:$0x1B800] =	vst v63  }
0x38: {  	_ = 	snop  }
0x39: {  	[spmem:s23] =	stream.linear.scatter [tilespmem:s28], [sflag:$0x1], $0x1000, $0x38;
	[tilespmem:$0x1B800] =	vst v63  }
0x3a: {  	_ = 	snop  }
0x3b: {  	[spmem:s24] =	stream.linear.scatter [tilespmem:s28], [sflag:$0x1], $0x1000, $0x38;
	[tilespmem:$0x1B800] =	vst v63  }
0x3c: {  	_ = 	snop  }
0x3d: {  	[spmem:s25] =	stream.linear.scatter [tilespmem:s28], [sflag:$0x1], $0x1000, $0x38;
	[tilespmem:$0x1B800] =	vst v63  }
0x3e: {  	_ =	swait.ge [sflag:s29], $0x1000  }
0x3f: {  	[sflag:s29] =	ssyncset.done $0x0  }
0x40: {  	[sflag:s29] =	ssyncadd.s32 $0xFFFFF000  }
0x41: {  	_ =	swait.ge [sflag:s29], $0x1000  }
0x42: {  	[sflag:s29] =	ssyncset.done $0x0  }
0x43: {  	[sflag:s29] =	ssyncadd.s32 $0xFFFFF000  }
0x44: {  	_ =	swait.ge [sflag:s29], $0x1000  }
0x45: {  	[sflag:s29] =	ssyncset.done $0x0  }
0x46: {  	[sflag:s29] =	ssyncadd.s32 $0xFFFFF000  }
0x47: {  	_ =	swait.ge [sflag:s29], $0x1000  }
0x48: {  	[sflag:s29] =	ssyncset.done $0x0  }
0x49: {  	[sflag:s29] =	ssyncadd.s32 $0xFFFFF000  }
0x4a: {  	_ =	swait.ge [sflag:s29], $0x1000  }
0x4b: {  	[sflag:s29] =	ssyncset.done $0x0  }
0x4c: {  	[sflag:s29] =	ssyncadd.s32 $0xFFFFF000  }
0x4d: {  	_ =	swait.ge [sflag:s29], $0x1000  }
0x4e: {  	[sflag:s29] =	ssyncset.done $0x0  }
0x4f: {  	[sflag:s29] =	ssyncadd.s32 $0xFFFFF000  }
0x50: {  	_ =	swait.ge [sflag:s29], $0x1000  }
0x51: {  	[sflag:s29] =	ssyncset.done $0x0  }
0x52: {  	[sflag:s29] =	ssyncadd.s32 $0xFFFFF000  }
0x53: {  	_ =	swait.ge [sflag:s29], $0x1000  }
0x54: {  	[sflag:s29] =	ssyncset.done $0x0  }
0x55: {  	[sflag:s29] =	ssyncadd.s32 $0xFFFFF000  }
0x56: {  	_ =	swait.ge [sflag:s29], $0x1000  }
0x57: {  	[sflag:s29] =	ssyncset.done $0x0  }
0x58: {  	[sflag:s29] =	ssyncadd.s32 $0xFFFFF000  }
0x59: {  	_ =	swait.ge [sflag:s29], $0x1000  }
0x5a: {  	[sflag:s29] =	ssyncset.done $0x0  }
0x5b: {  	[sflag:s29] =	ssyncadd.s32 $0xFFFFF000  }
0x5c: {  	_ =	swait.ge [sflag:s30], $0x1400  }
0x5d: {  	[sflag:s30] =	ssyncset.done $0x0  }
0x5e: {  	[sflag:s30] =	ssyncadd.s32 $0xFFFFEC00  }
0x5f: {  	_ =	swait.ge [sflag:s31], $0x1400  }
0x60: {  	[sflag:s31] =	ssyncset.done $0x0  }
0x61: {  	[sflag:s31] =	ssyncadd.s32 $0xFFFFEC00  }
0x62: {  	_ =	swait.ge [sflag:s1], $0x1400  }
0x63: {  	[sflag:s1] =	ssyncset.done $0x0  }
0x64: {  	[sflag:s1] =	ssyncadd.s32 $0xFFFFEC00  }
0x65: {  	[bflag:$0x0] =	sbarrier.arrive $0xFFFF  }
0x66: {  	[tilespmem:s26], [sflag:$0x1] =	stream.indirect.gather [spmem:s2], $0x40, s13, s0, $0xb8;
	[tilespmem:$0x1B800] =	vst v63  }
0x67: {  	_ = 	snop  }
0x68: {  	[tilespmem:s4], [sflag:$0x2] =	stream.indirect.gather [spmem:s2], $0x40, s0, s0, $0xb8;
	[tilespmem:$0x1B800] =	vst v63  }
0x69: {  	_ =	swait.ge [sflag:s29], $0x2000  }
0x6a: {  	[sflag:s29] =	ssyncset.done $0x0  }
0x6b: {  	s14 =	simm.s32 $0x1400;
	[sflag:s29] =	ssyncadd.s32 $0xFFFFE000  }
0x6c: {  	[spmem:s3] =	stream.indirect.scatter.add.f32 [tilespmem:s26], [sflag:$0x5], $0x40, s14, s0, $0xb8;
	[tilespmem:$0x1B800] =	vst v63  }
0x6d: {  	_ =	swait.ge [sflag:s5], $0x2000  }
0x6e: {  	[sflag:s5] =	ssyncset.done $0x0  }
0x6f: {  	s15 =	simm.s32 $0x100;
	[sflag:s5] =	ssyncadd.s32 $0xFFFFE000  }
0x70: {  	[tilespmem:s26], [sflag:$0x1] =	stream.indirect.gather [spmem:s2], $0x40, s15, s0, $0xb8;
	[tilespmem:$0x1B800] =	vst v63  }
0x71: {  	_ =	swait.ge [sflag:s30], $0x2000  }
0x72: {  	[sflag:s30] =	ssyncset.done $0x0  }
0x73: {  	s16 =	simm.s32 $0x1480;
	[sflag:s30] =	ssyncadd.s32 $0xFFFFE000  }
0x74: {  	[spmem:s3] =	stream.indirect.scatter.add.f32 [tilespmem:s4], [sflag:$0x5], $0x40, s16, s0, $0xb8;
	[tilespmem:$0x1B800] =	vst v63  }
0x75: {  	_ =	swait.ge [sflag:s5], $0x2000  }
0x76: {  	[sflag:s5] =	ssyncset.done $0x0  }
0x77: {  	s13 =	simm.s32 $0x400;
	s14 =	simm.s32 $0x180;
	[sflag:s5] =	ssyncadd.s32 $0xFFFFE000  }
.LBB2_4:
0x78: {  	[tilespmem:s4], [sflag:$0x2] =	stream.indirect.gather [spmem:s2], $0x40, s14, s0, $0xb8;
	[tilespmem:$0x1B800] =	vst v63  }
0x79: {  	s14 =	smov.u32 s13  }
0x7a: {  	p0 =	sne.s32 s13, $0x4800;
	s13 =	sadd.s32 $0x400, s13;
	_ =	swait.ge [sflag:s29], $0x2000  }
0x7b: {  	s14 =	sshra.s32 s14, $0x2;
	[sflag:s29] =	ssyncset.done $0x0  }
0x7c: {  	s15 =	sadd.s32 $0x1400, s14;
	[sflag:s29] =	ssyncadd.s32 $0xFFFFE000  }
0x7d: {  	[spmem:s3] =	stream.indirect.scatter.add.f32 [tilespmem:s26], [sflag:$0x5], $0x40, s15, s0, $0xb8;
	[tilespmem:$0x1B800] =	vst v63  }
0x7e: {  	_ =	swait.ge [sflag:s5], $0x2000  }
0x7f: {  	[sflag:s5] =	ssyncset.done $0x0  }
0x80: {  	s15 =	sadd.s32 $0x100, s14;
	[sflag:s5] =	ssyncadd.s32 $0xFFFFE000  }
0x81: {  	[tilespmem:s26], [sflag:$0x1] =	stream.indirect.gather [spmem:s2], $0x40, s15, s0, $0xb8;
	[tilespmem:$0x1B800] =	vst v63  }
0x82: {  	_ =	swait.ge [sflag:s30], $0x2000  }
0x83: {  	[sflag:s30] =	ssyncset.done $0x0  }
.Ltmp1:
0x84: {  	s15 =	sadd.s32 $0x1480, s14;
	[sflag:s30] =	ssyncadd.s32 $0xFFFFE000;
	(pc) =	sbr.rel @p0 .LBB2_4-.Ltmp1, $4  }
0x85: {  	[spmem:s3] =	stream.indirect.scatter.add.f32 [tilespmem:s4], [sflag:$0x5], $0x40, s15, s0, $0xb8;
	[tilespmem:$0x1B800] =	vst v63  }
0x86: {  	_ =	swait.ge [sflag:s5], $0x2000  }
0x87: {  	[sflag:s5] =	ssyncset.done $0x0  }
0x88: {  	s14 =	sadd.s32 $0x180, s14;
	[sflag:s5] =	ssyncadd.s32 $0xFFFFE000  }
0x89: {  	[tilespmem:s4], [sflag:$0x2] =	stream.indirect.gather [spmem:s2], $0x40, s14, s0, $0xb8;
	[tilespmem:$0x1B800] =	vst v63  }
0x8a: {  	_ =	swait.ge [sflag:s29], $0x2000  }
0x8b: {  	[sflag:s29] =	ssyncset.done $0x0  }
0x8c: {  	[sflag:s29] =	ssyncadd.s32 $0xFFFFE000  }
0x8d: {  	[spmem:s3] =	stream.indirect.scatter.add.f32 [tilespmem:s26], [sflag:$0x5], $0x40, s6, s0, $0xb8;
	[tilespmem:$0x1B800] =	vst v63  }
0x8e: {  	_ =	swait.ge [sflag:s5], $0x2000  }
0x8f: {  	[sflag:s5] =	ssyncset.done $0x0  }
0x90: {  	[sflag:s5] =	ssyncadd.s32 $0xFFFFE000  }
0x91: {  	_ =	swait.ge [sflag:s30], $0x2000  }
0x92: {  	[sflag:s30] =	ssyncset.done $0x0  }
0x93: {  	[sflag:s30] =	ssyncadd.s32 $0xFFFFE000  }
0x94: {  	[spmem:s3] =	stream.indirect.scatter.add.f32 [tilespmem:s4], [sflag:$0x5], $0x40, s7, s0, $0xb8;
	[tilespmem:$0x1B800] =	vst v63  }
0x95: {  	_ =	swait.ge [sflag:s5], $0x2000  }
0x96: {  	[sflag:s5] =	ssyncset.done $0x0  }
0x97: {  	[sflag:s5] =	ssyncadd.s32 $0xFFFFE000  }
0x98: {  	[bflag:$0x0] =	sbarrier.arrive $0xFFFF  }
0x99: {  	s16 =	rddreg [dreg:$0x9]  }
0x9a: {  	s13 =	sor.u32 $0x1C03, s8;
	s15 =	rddreg [dreg:$0x8];
	s14 =	sshrl.u32 s16, $0x3  }
0x9b: {  	[hbm:s15], [sflag:s13] =	dma.local [spmem:s14], $0x1400  }
0x9c: {  	s15 =	rddreg [dreg:$0xa]  }
0x9d: {  	[spmem:s12], [sflag:s10] =	dma.local [hbm:s15], $0x1400  }
0x9e: {  	_ =	swait.ge [sflag:s31], $0x1400  }
0x9f: {  	[sflag:s31] =	ssyncset.done $0x0  }
0xa0: {  	[sflag:s31] =	ssyncadd.s32 $0xFFFFEC00  }
0xa1: {  	[spmem:s11] =	stream.linear.scatter [tilespmem:s28], [sflag:$0x1], $0x1000, $0x38;
	[tilespmem:$0x1B800] =	vst v63  }
0xa2: {  	_ = 	snop  }
0xa3: {  	[spmem:s17] =	stream.linear.scatter [tilespmem:s28], [sflag:$0x1], $0x1000, $0x38;
	[tilespmem:$0x1B800] =	vst v63  }
0xa4: {  	_ = 	snop  }
0xa5: {  	[spmem:s18] =	stream.linear.scatter [tilespmem:s28], [sflag:$0x1], $0x1000, $0x38;
	[tilespmem:$0x1B800] =	vst v63  }
0xa6: {  	_ = 	snop  }
0xa7: {  	[spmem:s19] =	stream.linear.scatter [tilespmem:s28], [sflag:$0x1], $0x1000, $0x38;
	[tilespmem:$0x1B800] =	vst v63  }
0xa8: {  	_ = 	snop  }
0xa9: {  	[spmem:s20] =	stream.linear.scatter [tilespmem:s28], [sflag:$0x1], $0x1000, $0x38;
	[tilespmem:$0x1B800] =	vst v63  }
0xaa: {  	_ = 	snop  }
0xab: {  	[spmem:s21] =	stream.linear.scatter [tilespmem:s28], [sflag:$0x1], $0x1000, $0x38;
	[tilespmem:$0x1B800] =	vst v63  }
0xac: {  	_ = 	snop  }
0xad: {  	[spmem:s22] =	stream.linear.scatter [tilespmem:s28], [sflag:$0x1], $0x1000, $0x38;
	[tilespmem:$0x1B800] =	vst v63  }
0xae: {  	_ = 	snop  }
0xaf: {  	[spmem:s23] =	stream.linear.scatter [tilespmem:s28], [sflag:$0x1], $0x1000, $0x38;
	[tilespmem:$0x1B800] =	vst v63  }
0xb0: {  	_ = 	snop  }
0xb1: {  	[spmem:s24] =	stream.linear.scatter [tilespmem:s28], [sflag:$0x1], $0x1000, $0x38;
	[tilespmem:$0x1B800] =	vst v63  }
0xb2: {  	_ = 	snop  }
0xb3: {  	[spmem:s25] =	stream.linear.scatter [tilespmem:s28], [sflag:$0x1], $0x1000, $0x38;
	[tilespmem:$0x1B800] =	vst v63  }
0xb4: {  	_ =	swait.ge [sflag:s29], $0x1000  }
0xb5: {  	[sflag:s29] =	ssyncset.done $0x0  }
0xb6: {  	[sflag:s29] =	ssyncadd.s32 $0xFFFFF000  }
0xb7: {  	_ =	swait.ge [sflag:s29], $0x1000  }
0xb8: {  	[sflag:s29] =	ssyncset.done $0x0  }
0xb9: {  	[sflag:s29] =	ssyncadd.s32 $0xFFFFF000  }
0xba: {  	_ =	swait.ge [sflag:s29], $0x1000  }
0xbb: {  	[sflag:s29] =	ssyncset.done $0x0  }
0xbc: {  	[sflag:s29] =	ssyncadd.s32 $0xFFFFF000  }
0xbd: {  	_ =	swait.ge [sflag:s29], $0x1000  }
0xbe: {  	[sflag:s29] =	ssyncset.done $0x0  }
0xbf: {  	[sflag:s29] =	ssyncadd.s32 $0xFFFFF000  }
0xc0: {  	_ =	swait.ge [sflag:s29], $0x1000  }
0xc1: {  	[sflag:s29] =	ssyncset.done $0x0  }
0xc2: {  	[sflag:s29] =	ssyncadd.s32 $0xFFFFF000  }
0xc3: {  	_ =	swait.ge [sflag:s29], $0x1000  }
0xc4: {  	[sflag:s29] =	ssyncset.done $0x0  }
0xc5: {  	[sflag:s29] =	ssyncadd.s32 $0xFFFFF000  }
0xc6: {  	_ =	swait.ge [sflag:s29], $0x1000  }
0xc7: {  	[sflag:s29] =	ssyncset.done $0x0  }
0xc8: {  	[sflag:s29] =	ssyncadd.s32 $0xFFFFF000  }
0xc9: {  	_ =	swait.ge [sflag:s29], $0x1000  }
0xca: {  	[sflag:s29] =	ssyncset.done $0x0  }
0xcb: {  	[sflag:s29] =	ssyncadd.s32 $0xFFFFF000  }
0xcc: {  	_ =	swait.ge [sflag:s29], $0x1000  }
0xcd: {  	[sflag:s29] =	ssyncset.done $0x0  }
0xce: {  	[sflag:s29] =	ssyncadd.s32 $0xFFFFF000  }
0xcf: {  	_ =	swait.ge [sflag:s29], $0x1000  }
0xd0: {  	[sflag:s29] =	ssyncset.done $0x0  }
0xd1: {  	[sflag:s29] =	ssyncadd.s32 $0xFFFFF000  }
0xd2: {  	_ =	swait.ge [sflag:s30], $0x1400  }
0xd3: {  	[sflag:s30] =	ssyncset.done $0x0  }
0xd4: {  	[sflag:s30] =	ssyncadd.s32 $0xFFFFEC00  }
0xd5: {  	s15 =	simm.s32 $0x0;
	[bflag:$0x0] =	sbarrier.arrive $0xFFFF  }
0xd6: {  	[tilespmem:s26], [sflag:$0x1] =	stream.indirect.gather [spmem:s2], $0x40, s15, s0, $0xb8;
	[tilespmem:$0x1B800] =	vst v63  }
0xd7: {  	_ = 	snop  }
0xd8: {  	[tilespmem:s4], [sflag:$0x2] =	stream.indirect.gather [spmem:s2], $0x40, s0, s0, $0xb8;
	[tilespmem:$0x1B800] =	vst v63  }
0xd9: {  	_ =	swait.ge [sflag:s29], $0x2000  }
0xda: {  	[sflag:s29] =	ssyncset.done $0x0  }
0xdb: {  	s16 =	simm.s32 $0x1400;
	[sflag:s29] =	ssyncadd.s32 $0xFFFFE000  }
0xdc: {  	[spmem:s3] =	stream.indirect.scatter.add.f32 [tilespmem:s26], [sflag:$0x5], $0x40, s16, s0, $0xb8;
	[tilespmem:$0x1B800] =	vst v63  }
0xdd: {  	_ =	swait.ge [sflag:s5], $0x2000  }
0xde: {  	[sflag:s5] =	ssyncset.done $0x0  }
0xdf: {  	s15 =	simm.s32 $0x100;
	[sflag:s5] =	ssyncadd.s32 $0xFFFFE000  }
0xe0: {  	[tilespmem:s26], [sflag:$0x1] =	stream.indirect.gather [spmem:s2], $0x40, s15, s0, $0xb8;
	[tilespmem:$0x1B800] =	vst v63  }
0xe1: {  	_ =	swait.ge [sflag:s30], $0x2000  }
0xe2: {  	[sflag:s30] =	ssyncset.done $0x0  }
0xe3: {  	s16 =	simm.s32 $0x1480;
	[sflag:s30] =	ssyncadd.s32 $0xFFFFE000  }
0xe4: {  	[spmem:s3] =	stream.indirect.scatter.add.f32 [tilespmem:s4], [sflag:$0x5], $0x40, s16, s0, $0xb8;
	[tilespmem:$0x1B800] =	vst v63  }
0xe5: {  	_ =	swait.ge [sflag:s5], $0x2000  }
0xe6: {  	[sflag:s5] =	ssyncset.done $0x0  }
0xe7: {  	s12 =	simm.s32 $0x400;
	s15 =	simm.s32 $0x180;
	[sflag:s5] =	ssyncadd.s32 $0xFFFFE000  }
.LBB2_6:
0xe8: {  	[tilespmem:s4], [sflag:$0x2] =	stream.indirect.gather [spmem:s2], $0x40, s15, s0, $0xb8;
	[tilespmem:$0x1B800] =	vst v63  }
0xe9: {  	s15 =	smov.u32 s12  }
0xea: {  	p0 =	sne.s32 s12, $0x4800;
	s12 =	sadd.s32 $0x400, s12;
	_ =	swait.ge [sflag:s29], $0x2000  }
0xeb: {  	s15 =	sshra.s32 s15, $0x2;
	[sflag:s29] =	ssyncset.done $0x0  }
0xec: {  	s16 =	sadd.s32 $0x1400, s15;
	[sflag:s29] =	ssyncadd.s32 $0xFFFFE000  }
0xed: {  	[spmem:s3] =	stream.indirect.scatter.add.f32 [tilespmem:s26], [sflag:$0x5], $0x40, s16, s0, $0xb8;
	[tilespmem:$0x1B800] =	vst v63  }
0xee: {  	_ =	swait.ge [sflag:s5], $0x2000  }
0xef: {  	[sflag:s5] =	ssyncset.done $0x0  }
0xf0: {  	s16 =	sadd.s32 $0x100, s15;
	[sflag:s5] =	ssyncadd.s32 $0xFFFFE000  }
0xf1: {  	[tilespmem:s26], [sflag:$0x1] =	stream.indirect.gather [spmem:s2], $0x40, s16, s0, $0xb8;
	[tilespmem:$0x1B800] =	vst v63  }
0xf2: {  	_ =	swait.ge [sflag:s30], $0x2000  }
0xf3: {  	[sflag:s30] =	ssyncset.done $0x0  }
.Ltmp2:
0xf4: {  	s16 =	sadd.s32 $0x1480, s15;
	[sflag:s30] =	ssyncadd.s32 $0xFFFFE000;
	(pc) =	sbr.rel @p0 .LBB2_6-.Ltmp2, $4  }
0xf5: {  	[spmem:s3] =	stream.indirect.scatter.add.f32 [tilespmem:s4], [sflag:$0x5], $0x40, s16, s0, $0xb8;
	[tilespmem:$0x1B800] =	vst v63  }
0xf6: {  	_ =	swait.ge [sflag:s5], $0x2000  }
0xf7: {  	[sflag:s5] =	ssyncset.done $0x0  }
0xf8: {  	s15 =	sadd.s32 $0x180, s15;
	[sflag:s5] =	ssyncadd.s32 $0xFFFFE000  }
0xf9: {  	[tilespmem:s4], [sflag:$0x2] =	stream.indirect.gather [spmem:s2], $0x40, s15, s0, $0xb8;
	[tilespmem:$0x1B800] =	vst v63  }
0xfa: {  	_ =	swait.ge [sflag:s29], $0x2000  }
0xfb: {  	[sflag:s29] =	ssyncset.done $0x0  }
0xfc: {  	[sflag:s29] =	ssyncadd.s32 $0xFFFFE000  }
0xfd: {  	[spmem:s3] =	stream.indirect.scatter.add.f32 [tilespmem:s26], [sflag:$0x5], $0x40, s6, s0, $0xb8;
	[tilespmem:$0x1B800] =	vst v63  }
0xfe: {  	_ =	swait.ge [sflag:s5], $0x2000  }
0xff: {  	[sflag:s5] =	ssyncset.done $0x0  }
0x100: {  	[sflag:s5] =	ssyncadd.s32 $0xFFFFE000  }
0x101: {  	_ =	swait.ge [sflag:s30], $0x2000  }
0x102: {  	[sflag:s30] =	ssyncset.done $0x0  }
0x103: {  	[sflag:s30] =	ssyncadd.s32 $0xFFFFE000  }
0x104: {  	[spmem:s3] =	stream.indirect.scatter.add.f32 [tilespmem:s4], [sflag:$0x5], $0x40, s7, s0, $0xb8;
	[tilespmem:$0x1B800] =	vst v63  }
0x105: {  	_ =	swait.ge [sflag:s5], $0x2000  }
0x106: {  	[sflag:s5] =	ssyncset.done $0x0  }
0x107: {  	[sflag:s5] =	ssyncadd.s32 $0xFFFFE000  }
0x108: {  	[bflag:$0x0] =	sbarrier.arrive $0xFFFF  }
0x109: {  	s12 =	rddreg [dreg:$0xb]  }
0x10a: {  	[hbm:s12], [sflag:s13] =	dma.local [spmem:s14], $0x1400  }
0x10b: {  	_ =	swait.ge [sflag:s31], $0x1400  }
0x10c: {  	s9 =	sadd.s32 $0x1, s9;
	s16 =	rddreg [dreg:$0xc]  }
0x10d: {  	p0 =	sne.s32 s9, s16  }
.Ltmp3:
0x10e: {  	_ = 	snop;
	(pc) =	sbr.rel @p0 .LBB2_1-.Ltmp3, $3  }
0x10f: {  	_ =	sdelay $0x1  }
0x110: {  	[sflag:s31] =	ssyncset.done $0x0  }
0x111: {  	[sflag:s31] =	ssyncadd.s32 $0xFFFFEC00  }
0x112: {  	_ =	sfence.sel $0x180000  }
0x113: {  	[bflag:$0x0] =	sbarrier.arrive $0xFFFF  }
0x114: {  	_ =	strace $0x9000004A  }
0x115: {  	s0 =	stileid.u32;
	[bflag:$0x2] =	sbarrier.arrive $0xFFFF  }
0x116: {  	p0 =	sne.s32 s0, $0x0;
	s0 =	rddreg [dreg:$0x3]  }
0x117: {  	s0 =	sadd.s32 @!p0 $0x100000, s0  }
0x118: {  	[sflag:s0] =	ssyncadd.tile.s32 @!p0 $0x1;
	_ =	shalt  }
.Lfunc_end2:
_tile_overlayer_lowered:
.L_overlay_start_2:
0x119: {  	(tag) =	ssettag $0x2  }
0x11a: {  	s0 =	rddreg [dreg:$0x0];
	s2 =	stileid.u32  }
0x11b: {  	s1 =	rddreg [dreg:$0x1];
	p0 =	sne.s32 s2, $0x0  }
0x11c: {  	s3 =	rddreg [dreg:$0x2];
	[bflag:$0x3] =	sbarrier.arrive $0xFFFF;
	s2 =	simm.s32 @!p0 $0x1C05  }
0x11d: {  	[timem:s3], [sflag:s2] =	dma.local @!p0 [hbm:s0], s1  }
0x11e: {  	s0 =	simm.s32 @!p0 $0x5  }
0x11f: {  	_ =	swait.ge @!p0 [sflag:s0], s1  }
0x120: {  	s1 =	ssub.s32 @!p0 $0x0, s1;
	[sflag:s0] =	ssyncset.done @!p0 $0x0  }
0x121: {  	[sflag:s0] =	ssyncadd.s32 @!p0 s1  }
0x122: {  	[bflag:$0x3] =	sbarrier.arrive $0xFFFF  }
0x123: {  	_ =	shalt  }

// kernel: kernel.14.cloned.1.call-start
scs
__scs_entry_jumppad:
0x0: {  	(pc) =	sbr.rel $0x88, $3  }
0x1: {  	(tag) =	ssettag $0x0;
	lr =	simm.s32 $0x1  }
0x2: {  	[smem:$0x3F9B] =	sst lr;
	_ =	strace $0xD0000000  }
0x3: {  	_ = 	snop  }
0x4: {  	_ = 	snop  }
0x5: {  	_ = 	snop  }
0x6: {  	_ = 	snop  }
0x7: {  	_ = 	snop  }
__scs_overlays_trampoline_lowered:
0x8: {  	[smem:$0x3FAA] =	sst s0  }
0x9: {  	[smem:$0x3FAB] =	sst s1  }
0xa: {  	[smem:$0x3FAC] =	sst s2  }
0xb: {  	[smem:$0x3FAD] =	sst s3  }
0xc: {  	[smem:$0x3FAE] =	sst s4  }
0xd: {  	[smem:$0x3FAF] =	sst s5  }
0xe: {  	[smem:$0x3FB0] =	sst s6  }
0xf: {  	[smem:$0x3FB1] =	sst s7  }
0x10: {  	[smem:$0x3FB2] =	sst s8  }
0x11: {  	[smem:$0x3FB3] =	sst s9;
	s0 =	simm.s32 @!p0 $0x0  }
0x12: {  	s1 =	sld [smem:$0x3F99];
	s0 =	simm.s32 @p0 $0x1  }
0x13: {  	[smem:$0x3FB4] =	sst s0;
	s0 =	simm.s32 @!p1 $0x0  }
0x14: {  	s2 =	sld [smem:$0x3F98];
	s0 =	simm.s32 @p1 $0x1  }
0x15: {  	[smem:$0x3FB5] =	sst s0;
	s0 =	simm.s32 @!p2 $0x0  }
0x16: {  	s3 =	sld [smem:$0x3FDB];
	s0 =	simm.s32 @p2 $0x1  }
0x17: {  	s4 =	simm.s32 $0x1BF5;
	[smem:$0x3FB7] =	sst s0  }
0x18: {  	s0 =	sld [smem:$0x3F9A];
	_ =	swait.ge [sflag:s4], $0x0  }
0x19: {  	s7 =	sld [smem:$0x3F9B]  }
0x1a: {  	s8 =	sadd.s32 $0xFFFFE003, lr  }
0x1b: {  	s9 =	sadd.s32 $0xFFFFFEF7, lr;
	s5 =	simm.s32 $0xFFFFFFFF;
	p2 =	slt.u32 s8, $0xFFFFF086  }
0x1c: {  	p1 =	slt.u32 s9, $0xF7A;
	s5 =	simm.s32 @!p2 $0x0  }
0x1d: {  	s5 =	simm.s32 @p1 $0x1;
	p0 =	seq.s32 s7, s2  }
0x1e: {  	s7 =	smul.u32 @!p0 $0xF7A, s2;
	p2 =	seq.s32 @!p0 s5, $0x0  }
0x1f: {  	s9 =	smul.u32 $0xF7A, s1;
	s8 =	simm.s32 @!p0 $0x1BF5;
	p2 =	por !p2, p0  }
0x20: {  	[sflag:s8] =	ssyncset.s32 @!p0 $0xFFFFF086;
	s6 =	sadd.s32 @!p0 s3, s7;
	s7 =	simm.s32 @!p0 $0x108  }
0x21: {  	s3 =	sadd.s32 s3, s9;
	s6 =	sadd.s32 @!p0 $0x88, s6;
	s7 =	simm.s32 @p2 $0x1082  }
0x22: {  	[simem:s7], [sflag:s8] =	dma.local @!p0 [hbm:s6], $0xF7A  }
0x23: {  	s9 =	sor.u32 $0xD0000000, s2;
	s6 =	simm.s32 $0x108;
	_ =	swait.ge @!p0 [sflag:s8], $0x0  }
0x24: {  	s3 =	sadd.s32 $0x88, s3;
	s6 =	simm.s32 @!p1 $0x1082;
	[sflag:s4] =	ssyncset.s32 $0xFFFFF086  }
0x25: {  	[simem:s6], [sflag:s4] =	dma.local [hbm:s3], $0xF7A  }
0x26: {  	[smem:$0x3F9B] =	sst s1;
	(tag) =	ssettag s2;
	_ =	strace s9  }
0x27: {  	s1 =	sld [smem:$0x3FAB]  }
0x28: {  	s2 =	sld [smem:$0x3FAC]  }
0x29: {  	s4 =	sld [smem:$0x3FAE]  }
0x2a: {  	p0 =	seq.s32 s5, $0x0;
	s5 =	sld [smem:$0x3FAF]  }
0x2b: {  	s6 =	sld [smem:$0x3FB0]  }
0x2c: {  	s7 =	sld [smem:$0x3FB1]  }
0x2d: {  	s3 =	simm.s32 $0x108;
	s8 =	sld [smem:$0x3FB2]  }
0x2e: {  	s3 =	simm.s32 @!p0 $0x1082;
	s9 =	sld [smem:$0x3FB3]  }
0x2f: {  	lr =	sadd.s32 s0, s3;
	s0 =	sld [smem:$0x3FAA]  }
0x30: {  	s3 =	sld [smem:$0x3FAD]  }
0x31: {  	[smem:$0x3FB6] =	sst s10  }
0x32: {  	s10 =	sld [smem:$0x3FB4];
	_ =	sdelay $0x3  }
0x33: {  	p0 =	seq.s32 s10, $0x1;
	s10 =	sld [smem:$0x3FB6];
	_ =	sdelay $0x3  }
0x34: {  	[smem:$0x3FB6] =	sst s10  }
0x35: {  	s10 =	sld [smem:$0x3FB5];
	_ =	sdelay $0x3  }
0x36: {  	p1 =	seq.s32 s10, $0x1;
	s10 =	sld [smem:$0x3FB6];
	_ =	sdelay $0x3  }
0x37: {  	[smem:$0x3FB6] =	sst s10  }
0x38: {  	s10 =	sld [smem:$0x3FB7]  }
0x39: {  	_ = 	snop;
	(pc) =	sbr.ind lr, $3  }
0x3a: {  	_ = 	snop  }
0x3b: {  	_ = 	snop  }
0x3c: {  	p2 =	seq.s32 s10, $0x1;
	s10 =	sld [smem:$0x3FB6]  }
0x3d: {  	_ =	shalt  }
0x3e: {  	_ =	shalt  }
0x3f: {  	_ =	shalt  }
0x40: {  	_ =	shalt  }
0x41: {  	_ =	shalt  }
0x42: {  	_ =	shalt  }
0x43: {  	_ =	shalt  }
0x44: {  	_ =	shalt  }
0x45: {  	_ =	shalt  }
0x46: {  	_ =	shalt  }
0x47: {  	_ =	shalt  }
0x48: {  	_ =	shalt  }
0x49: {  	_ =	shalt  }
0x4a: {  	_ =	shalt  }
0x4b: {  	_ =	shalt  }
0x4c: {  	_ =	shalt  }
0x4d: {  	_ =	shalt  }
0x4e: {  	_ =	shalt  }
0x4f: {  	_ =	shalt  }
0x50: {  	_ =	shalt  }
0x51: {  	_ =	shalt  }
0x52: {  	_ =	shalt  }
0x53: {  	_ =	shalt  }
0x54: {  	_ =	shalt  }
0x55: {  	_ =	shalt  }
0x56: {  	_ =	shalt  }
0x57: {  	_ =	shalt  }
0x58: {  	_ =	shalt  }
0x59: {  	_ =	shalt  }
0x5a: {  	_ =	shalt  }
0x5b: {  	_ =	shalt  }
0x5c: {  	_ =	shalt  }
0x5d: {  	_ =	shalt  }
0x5e: {  	_ =	shalt  }
0x5f: {  	_ =	shalt  }
0x60: {  	_ =	shalt  }
0x61: {  	_ =	shalt  }
0x62: {  	_ =	shalt  }
0x63: {  	_ =	shalt  }
0x64: {  	_ =	shalt  }
0x65: {  	_ =	shalt  }
0x66: {  	_ =	shalt  }
0x67: {  	_ =	shalt  }
0x68: {  	_ =	shalt  }
0x69: {  	_ =	shalt  }
0x6a: {  	_ =	shalt  }
0x6b: {  	_ =	shalt  }
0x6c: {  	_ =	shalt  }
0x6d: {  	_ =	shalt  }
0x6e: {  	_ =	shalt  }
0x6f: {  	_ =	shalt  }
0x70: {  	_ =	shalt  }
0x71: {  	_ =	shalt  }
0x72: {  	_ =	shalt  }
0x73: {  	_ =	shalt  }
0x74: {  	_ =	shalt  }
0x75: {  	_ =	shalt  }
0x76: {  	_ =	shalt  }
0x77: {  	_ =	shalt  }
0x78: {  	_ =	shalt  }
0x79: {  	_ =	shalt  }
0x7a: {  	_ =	shalt  }
0x7b: {  	_ =	shalt  }
0x7c: {  	_ =	shalt  }
0x7d: {  	_ =	shalt  }
0x7e: {  	_ =	shalt  }
0x7f: {  	_ =	shalt  }
0x80: {  	_ =	shalt  }
0x81: {  	_ =	shalt  }
0x82: {  	_ =	shalt  }
0x83: {  	_ =	shalt  }
0x84: {  	_ =	shalt  }
0x85: {  	_ =	shalt  }
0x86: {  	_ =	shalt  }
0x87: {  	_ =	shalt  }
.Lfunc_end0:
.L_simem_size_0:
called_computation.2_lowered:
.L_overlay_start_0:
0x88: {  	s2 =	sld [smem:$0x3FD9]  }
0x89: {  	s3 =	sld [smem:$0x3FFE];
	_ =	sdelay $0x1  }
0x8a: {  	s1 =	srdreg.scid  }
0x8b: {  	s0 =	sand.u32 $0x1, s1  }
0x8c: {  	s16 =	sshll.u32 s0, $0xA;
	s2 =	sadd.s32 s3, s2  }
0x8d: {  	s2 =	sadd.s32 s2, s16  }
0x8e: {  	[smem:$0x3FC2] =	sst s2  }
0x8f: {  	_ = 	snop  }
0x90: {  	(tm) =	ssettm $0x1  }
0x91: {  	s17 =	sld [smem:$0x3FFB];
	_ =	sdelay $0x3  }
0x92: {  	_ =	strace s17  }
0x93: {  	s2 =	sld [smem:$0x3FFC];
	_ =	sdelay $0x3  }
0x94: {  	_ =	strace s2  }
0x95: {  	s2 =	sld [smem:$0x3FFD];
	_ =	sdelay $0x3  }
0x96: {  	_ =	strace s2  }
0x97: {  	_ =	strace $0x8FFFFFFF  }
0x98: {  	s18 =	sld [smem:$0x3FDB];
	_ =	sdelay $0x1  }
0x99: {  	s19 =	simm.s32 $_scs_section_size  }
0x9a: {  	s4 =	simm.s32 $_size__tile_overlayer_lowered;
	s5 =	simm.s32 $_tile_overlayer_lowered  }
0x9b: {  	s22 =	simm.s32 $0x1BFF;
	s21 =	sshll.u32 s5, $0x1;
	s2 =	sadd.s32 s19, s18  }
0x9c: {  	s6 =	simm.s32 $0x0;
	s20 =	sshll.u32 s4, $0x1;
	s4 =	sadd.s32 s21, s2  }
0x9d: {  	[timem:s6], [sflag:s22] =	dma.local [hbm:s4], s20  }
0x9e: {  	_ =	swait.ge [sflag:s22], s20  }
0x9f: {  	s3 =	ssub.s32 $0x0, s20;
	[sflag:s22] =	ssyncset.done $0x0  }
0xa0: {  	[sflag:s22] =	ssyncadd.s32 s3;
	_ =	sdelay $0x1  }
0xa1: {  	s23 =	simm.s32 $0x1B8B  }
0xa2: {  	_ =	swait.ge [sflag:s23], $0x1  }
0xa3: {  	[sflag:s23] =	ssyncset.done $0x0  }
0xa4: {  	s25 =	simm.s32 $0x1B8E;
	s24 =	sld [smem:$0x3FFE];
	[sflag:s23] =	ssyncadd.s32 $0xFFFFFFFF  }
0xa5: {  	s26 =	simm.s32 $execute0_lowered;
	[smem:$0x3FD2] =	sst s25  }
0xa6: {  	s4 =	sshll.u32 s26, $0x1;
	_ =	strace $0x8000004C;
	[dreg:$0x1] =	wrdreg $0xFFFFFFFF  }
0xa7: {  	s28 =	simm.s32 $_size_execute0_lowered;
	s2 =	sadd.s32 s2, s4;
	[dreg:$0x0] =	wrdreg $0x0  }
0xa8: {  	s4 =	sshll.u32 s28, $0x1;
	[dreg:$0x2] =	wrdreg s2  }
0xa9: {  	[dreg:$0x3] =	wrdreg s4  }
0xaa: {  	[dreg:$0x4] =	wrdreg $0xC0  }
0xab: {  	_ =	task [dreg:s6], $0x5FFFF  }
0xac: {  	[dreg:$0x1] =	wrdreg $0xFFFFFFFF  }
0xad: {  	[dreg:$0x0] =	wrdreg $0x60  }
0xae: {  	[dreg:$0x2] =	wrdreg s24  }
0xaf: {  	[dreg:$0x3] =	wrdreg $0x78000  }
0xb0: {  	[dreg:$0x4] =	wrdreg $0x118000  }
0xb1: {  	[dreg:$0x5] =	wrdreg $0x9  }
0xb2: {  	_ =	task.clear_ibuf [dreg:s6], $0x6FFFF;
	_ =	strace $0x9000004C  }
0xb3: {  	s29 =	simm.s32 $0x9;
	_ =	strace $0x8000004E  }
0xb4: {  	_ =	swait.ge [sflag:s29], $0x1  }
0xb5: {  	[sflag:s29] =	ssyncadd.s32 $0xFFFFFFFF  }
0xb6: {  	_ =	strace $0x9000004E  }
0xb7: {  	_ =	sfence  }
0xb8: {  	s30 =	sld [smem:$0x0];
	_ =	sdelay $0x2  }
0xb9: {  	s31 =	sshll.u32 s1, $0xD;
	s1 =	sshrl.u32 s1, $0x2  }
0xba: {  	s3 =	sand.u32 $0x4000, s31;
	s1 =	sadd.s32 s1, s30  }
0xbb: {  	s0 =	sor.u32 s3, s0;
	s1 =	sshll.u32 s1, $0x11  }
0xbc: {  	s0 =	sor.u32 s1, s0  }
0xbd: {  	s0 =	sadd.s32 $0x8F2B, s0  }
0xbe: {  	[sflag:s0] =	ssyncadd.remote.s32 $0x1  }
0xbf: {  	_ =	sfence.sel $0xFFFF  }
0xc0: {  	[dreg:$0x0] =	wrdreg $0xFFFFFFFF;
	(pc) =	sbr.abs _section_cstart, $3  }
0xc1: {  	[dreg:$0x1] =	wrdreg $0xFFFFFFFF  }
0xc2: {  	_ =	task.clear_ibuf [dreg:s6], $0x2FFFF;
	_ =	strace $0x9FFFFFFF  }
0xc3: {  	(tm) =	ssettm $0x7FFFFFFF  }
tec
execute0_lowered:
.L_overlay_start_1:
0x0: {  	(tag) =	ssettag $0x1  }
0x1: {  	s0 =	srdreg.scid  }
0x2: {  	s1 =	rddreg [dreg:$0x0];
	s10 =	stileid.u32  }
0x3: {  	s2 =	rddreg [dreg:$0x1];
	s7 =	simm.s32 $0x0;
	s28 =	simm.s32 $0x2  }
0x4: {  	s29 =	simm.s32 $0x3;
	s30 =	simm.s32 $0x4;
	s4 =	smul.u32 $0xA000, s10  }
0x5: {  	s31 =	simm.s32 $0x80;
	s0 =	sand.u32 $0x1, s0;
	s6 =	smul.u32 $0x1400, s10  }
0x6: {  	[smem:$0x7FF] =	sst s7;
	s20 =	smul.u32 $0x28000, s10;
	s7 =	sshll.u32 s10, $0x6  }
0x7: {  	s3 =	sshll.u32 s0, $0x4;
	s8 =	smul.u32 $0x14000, s0;
	s0 =	ssub.s32 $0x2, s0  }
0x8: {  	s25 =	sor.u32 $0x1C02, s7;
	s5 =	sor.u32 s10, s3;
	s3 =	rddreg [dreg:$0x2]  }
0x9: {  	s18 =	sshrl.u32 s4, $0x3;
	_ =	strace $0x8000004D;
	s19 =	sshrl.u32 s0, $0x1  }
0xa: {  	s22 =	sadd.s32 s4, s2;
	s23 =	sshrl.u32 s20, $0x2;
	[dreg:$0x7] =	wrdreg s25  }
0xb: {  	s5 =	smul.u32 $0x280, s5;
	s9 =	sadd.s32 s18, s1;
	s6 =	sadd.s32 s6, s8  }
0xc: {  	s0 =	ssub.s32 s0, s19;
	s10 =	sadd.s32 s23, s3;
	s26 =	sadd.s32 s4, s3  }
0xd: {  	s23 =	sshrl.u32 s22, $0x3;
	s22 =	simm.s32 $0x5;
	s4 =	simm.s32 $0x0  }
0xe: {  	s24 =	sadd.s32 $0xC200, s9;
	s12 =	smax.u32 s0, $0x1;
	s13 =	sadd.s32 $0x1000, s10  }
0xf: {  	s14 =	sadd.s32 $0x2000, s10;
	s15 =	sadd.s32 $0x3000, s10;
	s16 =	sadd.s32 $0x4000, s10  }
0x10: {  	s17 =	sadd.s32 $0x5000, s10;
	s18 =	sadd.s32 $0x6000, s10;
	s19 =	sadd.s32 $0x7000, s10  }
0x11: {  	s20 =	sadd.s32 $0x8000, s10;
	s25 =	sshrl.u32 s26, $0x3;
	s26 =	simm.s32 $0x1  }
0x12: {  	s0 =	simm.s32 $0x5800;
	s5 =	sadd.s32 s5, s1;
	s1 =	sadd.s32 s6, s1  }
0x13: {  	[dreg:$0x6] =	wrdreg s24;
	s24 =	simm.s32 $0x2800;
	s21 =	sadd.s32 $0x2200, s5  }
0x14: {  	s5 =	sadd.s32 $0x7200, s5;
	s11 =	sadd.s32 $0x20200, s1;
	[dreg:$0x4] =	wrdreg s21  }
0x15: {  	v0 =	vimm.f32 $0.0e+00;
	s1 =	simm.s32 $0x3800;
	[dreg:$0x5] =	wrdreg s5;
	s21 =	sadd.s32 $0x9000, s10  }
.LBB2_1:
0x16: {  	s6 =	simm.s32 $0x0  }
0x17: {  	s5 =	sand.u32 $0x3F00, s6  }
0x18: {  	s6 =	sand.u32 $0x30, s6;
	s8 =	sshrl.u32 s5, $0x2  }
0x19: {  	s5 =	simm.s32 $0x40;
	s8 =	sor.u32 s6, s8;
	s6 =	simm.s32 $0x0  }
.LBB2_2:
0x1a: {  	p0 =	sne.s32 s5, $0x3FC0  }
0x1b: {  	[tilespmem:s8+$0x2800] =	vst v0;
	s6 =	sadd.s32 $0x10, s6;
	s8 =	smov.u32 s5;
	s5 =	sadd.s32 $0x40, s5  }
.Ltmp0:
0x1c: {  	(pc) =	sbr.rel @p0 .LBB2_2-.Ltmp0, $4  }
0x1d: {  	_ = 	snop  }
0x1e: {  	s8 =	sand.u32 $0x3F00, s8  }
0x1f: {  	s9 =	sand.u32 $0x30, s6;
	s8 =	sshrl.u32 s8, $0x2  }
0x20: {  	s8 =	sor.u32 s9, s8  }
0x21: {  	s6 =	rddreg [dreg:$0x4]  }
0x22: {  	[tilespmem:s8+$0x2800] =	vst v0;
	s5 =	simm.s32 $0x0;
	s9 =	simm.s32 $0x1400;
	s8 =	rddreg [dreg:$0x6]  }
0x23: {  	[tilespmem:s9], [sflag:$0x3] =	stream.linear.gather [hbm4b:s6+s5], $0x1400, $0x38;
	[tilespmem:$0x1B800] =	vst v63  }
0x24: {  	s9 =	rddreg [dreg:$0x5]  }
0x25: {  	[tilespmem:s5], [sflag:$0x4] =	stream.linear.gather [hbm4b:s9+s5], $0x1400, $0x38;
	[tilespmem:$0x1B800] =	vst v63  }
0x26: {  	s9 =	rddreg [dreg:$0x7]  }
0x27: {  	[spmem:s23], [sflag:s9] =	dma.local [hbm:s8], $0x1400  }
0x28: {  	[spmem:s10] =	stream.linear.scatter [tilespmem:s24], [sflag:$0x1], $0x1000, $0x38;
	[tilespmem:$0x1B800] =	vst v63  }
0x29: {  	_ = 	snop  }
0x2a: {  	[spmem:s13] =	stream.linear.scatter [tilespmem:s24], [sflag:$0x1], $0x1000, $0x38;
	[tilespmem:$0x1B800] =	vst v63  }
0x2b: {  	_ = 	snop  }
0x2c: {  	[spmem:s14] =	stream.linear.scatter [tilespmem:s24], [sflag:$0x1], $0x1000, $0x38;
	[tilespmem:$0x1B800] =	vst v63  }
0x2d: {  	_ = 	snop  }
0x2e: {  	[spmem:s15] =	stream.linear.scatter [tilespmem:s24], [sflag:$0x1], $0x1000, $0x38;
	[tilespmem:$0x1B800] =	vst v63  }
0x2f: {  	_ = 	snop  }
0x30: {  	[spmem:s16] =	stream.linear.scatter [tilespmem:s24], [sflag:$0x1], $0x1000, $0x38;
	[tilespmem:$0x1B800] =	vst v63  }
0x31: {  	_ = 	snop  }
0x32: {  	[spmem:s17] =	stream.linear.scatter [tilespmem:s24], [sflag:$0x1], $0x1000, $0x38;
	[tilespmem:$0x1B800] =	vst v63  }
0x33: {  	_ = 	snop  }
0x34: {  	[spmem:s18] =	stream.linear.scatter [tilespmem:s24], [sflag:$0x1], $0x1000, $0x38;
	[tilespmem:$0x1B800] =	vst v63  }
0x35: {  	_ = 	snop  }
0x36: {  	[spmem:s19] =	stream.linear.scatter [tilespmem:s24], [sflag:$0x1], $0x1000, $0x38;
	[tilespmem:$0x1B800] =	vst v63  }
0x37: {  	_ = 	snop  }
0x38: {  	[spmem:s20] =	stream.linear.scatter [tilespmem:s24], [sflag:$0x1], $0x1000, $0x38;
	[tilespmem:$0x1B800] =	vst v63  }
0x39: {  	_ = 	snop  }
0x3a: {  	[spmem:s21] =	stream.linear.scatter [tilespmem:s24], [sflag:$0x1], $0x1000, $0x38;
	[tilespmem:$0x1B800] =	vst v63  }
0x3b: {  	_ =	swait.ge [sflag:s26], $0x1000  }
0x3c: {  	[sflag:s26] =	ssyncset.done $0x0  }
0x3d: {  	[sflag:s26] =	ssyncadd.s32 $0xFFFFF000  }
0x3e: {  	_ =	swait.ge [sflag:s26], $0x1000  }
0x3f: {  	[sflag:s26] =	ssyncset.done $0x0  }
0x40: {  	[sflag:s26] =	ssyncadd.s32 $0xFFFFF000  }
0x41: {  	_ =	swait.ge [sflag:s26], $0x1000  }
0x42: {  	[sflag:s26] =	ssyncset.done $0x0  }
0x43: {  	[sflag:s26] =	ssyncadd.s32 $0xFFFFF000  }
0x44: {  	_ =	swait.ge [sflag:s26], $0x1000  }
0x45: {  	[sflag:s26] =	ssyncset.done $0x0  }
0x46: {  	[sflag:s26] =	ssyncadd.s32 $0xFFFFF000  }
0x47: {  	_ =	swait.ge [sflag:s26], $0x1000  }
0x48: {  	[sflag:s26] =	ssyncset.done $0x0  }
0x49: {  	[sflag:s26] =	ssyncadd.s32 $0xFFFFF000  }
0x4a: {  	_ =	swait.ge [sflag:s26], $0x1000  }
0x4b: {  	[sflag:s26] =	ssyncset.done $0x0  }
0x4c: {  	[sflag:s26] =	ssyncadd.s32 $0xFFFFF000  }
0x4d: {  	_ =	swait.ge [sflag:s26], $0x1000  }
0x4e: {  	[sflag:s26] =	ssyncset.done $0x0  }
0x4f: {  	[sflag:s26] =	ssyncadd.s32 $0xFFFFF000  }
0x50: {  	_ =	swait.ge [sflag:s26], $0x1000  }
0x51: {  	[sflag:s26] =	ssyncset.done $0x0  }
0x52: {  	[sflag:s26] =	ssyncadd.s32 $0xFFFFF000  }
0x53: {  	_ =	swait.ge [sflag:s26], $0x1000  }
0x54: {  	[sflag:s26] =	ssyncset.done $0x0  }
0x55: {  	[sflag:s26] =	ssyncadd.s32 $0xFFFFF000  }
0x56: {  	_ =	swait.ge [sflag:s26], $0x1000  }
0x57: {  	[sflag:s26] =	ssyncset.done $0x0  }
0x58: {  	[sflag:s26] =	ssyncadd.s32 $0xFFFFF000  }
0x59: {  	_ =	swait.ge [sflag:s28], $0x1400  }
0x5a: {  	[sflag:s28] =	ssyncset.done $0x0  }
0x5b: {  	[sflag:s28] =	ssyncadd.s32 $0xFFFFEC00  }
0x5c: {  	_ =	swait.ge [sflag:s29], $0x1400  }
0x5d: {  	[sflag:s29] =	ssyncset.done $0x0  }
0x5e: {  	[sflag:s29] =	ssyncadd.s32 $0xFFFFEC00  }
0x5f: {  	_ =	swait.ge [sflag:s30], $0x1400  }
0x60: {  	[sflag:s30] =	ssyncset.done $0x0  }
0x61: {  	[sflag:s30] =	ssyncadd.s32 $0xFFFFEC00  }
0x62: {  	[bflag:$0x0] =	sbarrier.arrive $0xFFFF  }
0x63: {  	[tilespmem:s1], [sflag:$0x1] =	stream.indirect.gather [spmem:s2], $0x40, s5, s31, $0xb8;
	[tilespmem:$0x1B800] =	vst v63  }
0x64: {  	_ = 	snop  }
0x65: {  	[tilespmem:s0], [sflag:$0x2] =	stream.indirect.gather [spmem:s2], $0x40, s31, s31, $0xb8;
	[tilespmem:$0x1B800] =	vst v63  }
0x66: {  	_ =	swait.ge [sflag:s26], $0x2000  }
0x67: {  	[sflag:s26] =	ssyncset.done $0x0  }
0x68: {  	s6 =	simm.s32 $0x1400;
	[sflag:s26] =	ssyncadd.s32 $0xFFFFE000  }
0x69: {  	[spmem:s3] =	stream.indirect.scatter.add.f32 [tilespmem:s1], [sflag:$0x5], $0x40, s6, s31, $0xb8;
	[tilespmem:$0x1B800] =	vst v63  }
0x6a: {  	_ =	swait.ge [sflag:s22], $0x2000  }
0x6b: {  	[sflag:s22] =	ssyncset.done $0x0  }
0x6c: {  	s8 =	simm.s32 $0x100;
	[sflag:s22] =	ssyncadd.s32 $0xFFFFE000  }
0x6d: {  	[tilespmem:s1], [sflag:$0x1] =	stream.indirect.gather [spmem:s2], $0x40, s8, s31, $0xb8;
	[tilespmem:$0x1B800] =	vst v63  }
0x6e: {  	_ =	swait.ge [sflag:s28], $0x2000  }
0x6f: {  	[sflag:s28] =	ssyncset.done $0x0  }
0x70: {  	s9 =	simm.s32 $0x1480;
	[sflag:s28] =	ssyncadd.s32 $0xFFFFE000  }
0x71: {  	[spmem:s3] =	stream.indirect.scatter.add.f32 [tilespmem:s0], [sflag:$0x5], $0x40, s9, s31, $0xb8;
	[tilespmem:$0x1B800] =	vst v63  }
0x72: {  	_ =	swait.ge [sflag:s22], $0x2000  }
0x73: {  	[sflag:s22] =	ssyncset.done $0x0  }
0x74: {  	s5 =	simm.s32 $0x400;
	s6 =	simm.s32 $0x180;
	[sflag:s22] =	ssyncadd.s32 $0xFFFFE000  }
.LBB2_4:
0x75: {  	[tilespmem:s0], [sflag:$0x2] =	stream.indirect.gather [spmem:s2], $0x40, s6, s31, $0xb8;
	[tilespmem:$0x1B800] =	vst v63  }
0x76: {  	s6 =	smov.u32 s5  }
0x77: {  	p0 =	sne.s32 s5, $0x4800;
	s5 =	sadd.s32 $0x400, s5;
	_ =	swait.ge [sflag:s26], $0x2000  }
0x78: {  	s6 =	sshra.s32 s6, $0x2;
	[sflag:s26] =	ssyncset.done $0x0  }
0x79: {  	s8 =	sadd.s32 $0x1400, s6;
	[sflag:s26] =	ssyncadd.s32 $0xFFFFE000  }
0x7a: {  	[spmem:s3] =	stream.indirect.scatter.add.f32 [tilespmem:s1], [sflag:$0x5], $0x40, s8, s31, $0xb8;
	[tilespmem:$0x1B800] =	vst v63  }
0x7b: {  	_ =	swait.ge [sflag:s22], $0x2000  }
0x7c: {  	[sflag:s22] =	ssyncset.done $0x0  }
0x7d: {  	s8 =	sadd.s32 $0x100, s6;
	[sflag:s22] =	ssyncadd.s32 $0xFFFFE000  }
0x7e: {  	[tilespmem:s1], [sflag:$0x1] =	stream.indirect.gather [spmem:s2], $0x40, s8, s31, $0xb8;
	[tilespmem:$0x1B800] =	vst v63  }
0x7f: {  	_ =	swait.ge [sflag:s28], $0x2000  }
0x80: {  	[sflag:s28] =	ssyncset.done $0x0  }
.Ltmp1:
0x81: {  	s8 =	sadd.s32 $0x1480, s6;
	[sflag:s28] =	ssyncadd.s32 $0xFFFFE000;
	(pc) =	sbr.rel @p0 .LBB2_4-.Ltmp1, $4  }
0x82: {  	[spmem:s3] =	stream.indirect.scatter.add.f32 [tilespmem:s0], [sflag:$0x5], $0x40, s8, s31, $0xb8;
	[tilespmem:$0x1B800] =	vst v63  }
0x83: {  	_ =	swait.ge [sflag:s22], $0x2000  }
0x84: {  	[sflag:s22] =	ssyncset.done $0x0  }
0x85: {  	s6 =	sadd.s32 $0x180, s6;
	[sflag:s22] =	ssyncadd.s32 $0xFFFFE000  }
0x86: {  	[tilespmem:s0], [sflag:$0x2] =	stream.indirect.gather [spmem:s2], $0x40, s6, s31, $0xb8;
	[tilespmem:$0x1B800] =	vst v63  }
0x87: {  	_ =	swait.ge [sflag:s26], $0x2000  }
0x88: {  	[sflag:s26] =	ssyncset.done $0x0  }
0x89: {  	s5 =	simm.s32 $0x2700;
	[sflag:s26] =	ssyncadd.s32 $0xFFFFE000  }
0x8a: {  	[spmem:s3] =	stream.indirect.scatter.add.f32 [tilespmem:s1], [sflag:$0x5], $0x40, s5, s31, $0xb8;
	[tilespmem:$0x1B800] =	vst v63  }
0x8b: {  	_ =	swait.ge [sflag:s22], $0x2000  }
0x8c: {  	[sflag:s22] =	ssyncset.done $0x0  }
0x8d: {  	[sflag:s22] =	ssyncadd.s32 $0xFFFFE000  }
0x8e: {  	_ =	swait.ge [sflag:s28], $0x2000  }
0x8f: {  	[sflag:s28] =	ssyncset.done $0x0  }
0x90: {  	s8 =	simm.s32 $0x2780;
	[sflag:s28] =	ssyncadd.s32 $0xFFFFE000  }
0x91: {  	[spmem:s3] =	stream.indirect.scatter.add.f32 [tilespmem:s0], [sflag:$0x5], $0x40, s8, s31, $0xb8;
	[tilespmem:$0x1B800] =	vst v63  }
0x92: {  	_ =	swait.ge [sflag:s22], $0x2000  }
0x93: {  	s4 =	sadd.s32 $0x1, s4;
	[sflag:s22] =	ssyncset.done $0x0  }
0x94: {  	p0 =	sne.s32 s4, s12;
	[sflag:s22] =	ssyncadd.s32 $0xFFFFE000  }
.Ltmp2:
0x95: {  	s9 =	sor.u32 $0x1C05, s7;
	[bflag:$0x0] =	sbarrier.arrive $0xFFFF;
	(pc) =	sbr.rel @p0 .LBB2_1-.Ltmp2, $4  }
0x96: {  	[hbm:s11], [sflag:s9] =	dma.local [spmem:s25], $0x1400  }
0x97: {  	_ =	swait.ge [sflag:s22], $0x1400  }
0x98: {  	[sflag:s22] =	ssyncset.done $0x0  }
0x99: {  	[sflag:s22] =	ssyncadd.s32 $0xFFFFEC00  }
0x9a: {  	_ =	sfence.sel $0x180000  }
0x9b: {  	[bflag:$0x0] =	sbarrier.arrive $0xFFFF  }
0x9c: {  	_ =	strace $0x9000004D  }
0x9d: {  	s0 =	stileid.u32;
	[bflag:$0x2] =	sbarrier.arrive $0xFFFF  }
0x9e: {  	p0 =	sne.s32 s0, $0x0;
	s0 =	rddreg [dreg:$0x3]  }
0x9f: {  	s0 =	sadd.s32 @!p0 $0x100000, s0  }
0xa0: {  	[sflag:s0] =	ssyncadd.tile.s32 @!p0 $0x1;
	_ =	shalt  }
.Lfunc_end2:
_tile_overlayer_lowered:
.L_overlay_start_2:
0xa1: {  	(tag) =	ssettag $0x2  }
0xa2: {  	s0 =	rddreg [dreg:$0x0];
	s2 =	stileid.u32  }
0xa3: {  	s1 =	rddreg [dreg:$0x1];
	p0 =	sne.s32 s2, $0x0  }
0xa4: {  	s3 =	rddreg [dreg:$0x2];
	[bflag:$0x3] =	sbarrier.arrive $0xFFFF;
	s2 =	simm.s32 @!p0 $0x1C05  }
0xa5: {  	[timem:s3], [sflag:s2] =	dma.local @!p0 [hbm:s0], s1  }
0xa6: {  	s0 =	simm.s32 @!p0 $0x5  }
0xa7: {  	_ =	swait.ge @!p0 [sflag:s0], s1  }
0xa8: {  	s1 =	ssub.s32 @!p0 $0x0, s1;
	[sflag:s0] =	ssyncset.done @!p0 $0x0  }
0xa9: {  	[sflag:s0] =	ssyncadd.s32 @!p0 s1  }
0xaa: {  	[bflag:$0x3] =	sbarrier.arrive $0xFFFF  }
0xab: {  	_ =	shalt  }

// kernel: kernel.8.cloned.1.call-start
scs
__scs_entry_jumppad:
0x0: {  	(pc) =	sbr.rel $0x88, $3  }
0x1: {  	(tag) =	ssettag $0x0;
	lr =	simm.s32 $0x1  }
0x2: {  	[smem:$0x3F9B] =	sst lr;
	_ =	strace $0xD0000000  }
0x3: {  	_ = 	snop  }
0x4: {  	_ = 	snop  }
0x5: {  	_ = 	snop  }
0x6: {  	_ = 	snop  }
0x7: {  	_ = 	snop  }
__scs_overlays_trampoline_lowered:
0x8: {  	[smem:$0x3FAA] =	sst s0  }
0x9: {  	[smem:$0x3FAB] =	sst s1  }
0xa: {  	[smem:$0x3FAC] =	sst s2  }
0xb: {  	[smem:$0x3FAD] =	sst s3  }
0xc: {  	[smem:$0x3FAE] =	sst s4  }
0xd: {  	[smem:$0x3FAF] =	sst s5  }
0xe: {  	[smem:$0x3FB0] =	sst s6  }
0xf: {  	[smem:$0x3FB1] =	sst s7  }
0x10: {  	[smem:$0x3FB2] =	sst s8  }
0x11: {  	[smem:$0x3FB3] =	sst s9;
	s0 =	simm.s32 @!p0 $0x0  }
0x12: {  	s1 =	sld [smem:$0x3F99];
	s0 =	simm.s32 @p0 $0x1  }
0x13: {  	[smem:$0x3FB4] =	sst s0;
	s0 =	simm.s32 @!p1 $0x0  }
0x14: {  	s2 =	sld [smem:$0x3F98];
	s0 =	simm.s32 @p1 $0x1  }
0x15: {  	[smem:$0x3FB5] =	sst s0;
	s0 =	simm.s32 @!p2 $0x0  }
0x16: {  	s3 =	sld [smem:$0x3FDB];
	s0 =	simm.s32 @p2 $0x1  }
0x17: {  	s4 =	simm.s32 $0x1BF5;
	[smem:$0x3FB7] =	sst s0  }
0x18: {  	s0 =	sld [smem:$0x3F9A];
	_ =	swait.ge [sflag:s4], $0x0  }
0x19: {  	s7 =	sld [smem:$0x3F9B]  }
0x1a: {  	s8 =	sadd.s32 $0xFFFFE003, lr  }
0x1b: {  	s9 =	sadd.s32 $0xFFFFFEF7, lr;
	s5 =	simm.s32 $0xFFFFFFFF;
	p2 =	slt.u32 s8, $0xFFFFF086  }
0x1c: {  	p1 =	slt.u32 s9, $0xF7A;
	s5 =	simm.s32 @!p2 $0x0  }
0x1d: {  	s5 =	simm.s32 @p1 $0x1;
	p0 =	seq.s32 s7, s2  }
0x1e: {  	s7 =	smul.u32 @!p0 $0xF7A, s2;
	p2 =	seq.s32 @!p0 s5, $0x0  }
0x1f: {  	s9 =	smul.u32 $0xF7A, s1;
	s8 =	simm.s32 @!p0 $0x1BF5;
	p2 =	por !p2, p0  }
0x20: {  	[sflag:s8] =	ssyncset.s32 @!p0 $0xFFFFF086;
	s6 =	sadd.s32 @!p0 s3, s7;
	s7 =	simm.s32 @!p0 $0x108  }
0x21: {  	s3 =	sadd.s32 s3, s9;
	s6 =	sadd.s32 @!p0 $0x88, s6;
	s7 =	simm.s32 @p2 $0x1082  }
0x22: {  	[simem:s7], [sflag:s8] =	dma.local @!p0 [hbm:s6], $0xF7A  }
0x23: {  	s9 =	sor.u32 $0xD0000000, s2;
	s6 =	simm.s32 $0x108;
	_ =	swait.ge @!p0 [sflag:s8], $0x0  }
0x24: {  	s3 =	sadd.s32 $0x88, s3;
	s6 =	simm.s32 @!p1 $0x1082;
	[sflag:s4] =	ssyncset.s32 $0xFFFFF086  }
0x25: {  	[simem:s6], [sflag:s4] =	dma.local [hbm:s3], $0xF7A  }
0x26: {  	[smem:$0x3F9B] =	sst s1;
	(tag) =	ssettag s2;
	_ =	strace s9  }
0x27: {  	s1 =	sld [smem:$0x3FAB]  }
0x28: {  	s2 =	sld [smem:$0x3FAC]  }
0x29: {  	s4 =	sld [smem:$0x3FAE]  }
0x2a: {  	p0 =	seq.s32 s5, $0x0;
	s5 =	sld [smem:$0x3FAF]  }
0x2b: {  	s6 =	sld [smem:$0x3FB0]  }
0x2c: {  	s7 =	sld [smem:$0x3FB1]  }
0x2d: {  	s3 =	simm.s32 $0x108;
	s8 =	sld [smem:$0x3FB2]  }
0x2e: {  	s3 =	simm.s32 @!p0 $0x1082;
	s9 =	sld [smem:$0x3FB3]  }
0x2f: {  	lr =	sadd.s32 s0, s3;
	s0 =	sld [smem:$0x3FAA]  }
0x30: {  	s3 =	sld [smem:$0x3FAD]  }
0x31: {  	[smem:$0x3FB6] =	sst s10  }
0x32: {  	s10 =	sld [smem:$0x3FB4];
	_ =	sdelay $0x3  }
0x33: {  	p0 =	seq.s32 s10, $0x1;
	s10 =	sld [smem:$0x3FB6];
	_ =	sdelay $0x3  }
0x34: {  	[smem:$0x3FB6] =	sst s10  }
0x35: {  	s10 =	sld [smem:$0x3FB5];
	_ =	sdelay $0x3  }
0x36: {  	p1 =	seq.s32 s10, $0x1;
	s10 =	sld [smem:$0x3FB6];
	_ =	sdelay $0x3  }
0x37: {  	[smem:$0x3FB6] =	sst s10  }
0x38: {  	s10 =	sld [smem:$0x3FB7]  }
0x39: {  	_ = 	snop;
	(pc) =	sbr.ind lr, $3  }
0x3a: {  	_ = 	snop  }
0x3b: {  	_ = 	snop  }
0x3c: {  	p2 =	seq.s32 s10, $0x1;
	s10 =	sld [smem:$0x3FB6]  }
0x3d: {  	_ =	shalt  }
0x3e: {  	_ =	shalt  }
0x3f: {  	_ =	shalt  }
0x40: {  	_ =	shalt  }
0x41: {  	_ =	shalt  }
0x42: {  	_ =	shalt  }
0x43: {  	_ =	shalt  }
0x44: {  	_ =	shalt  }
0x45: {  	_ =	shalt  }
0x46: {  	_ =	shalt  }
0x47: {  	_ =	shalt  }
0x48: {  	_ =	shalt  }
0x49: {  	_ =	shalt  }
0x4a: {  	_ =	shalt  }
0x4b: {  	_ =	shalt  }
0x4c: {  	_ =	shalt  }
0x4d: {  	_ =	shalt  }
0x4e: {  	_ =	shalt  }
0x4f: {  	_ =	shalt  }
0x50: {  	_ =	shalt  }
0x51: {  	_ =	shalt  }
0x52: {  	_ =	shalt  }
0x53: {  	_ =	shalt  }
0x54: {  	_ =	shalt  }
0x55: {  	_ =	shalt  }
0x56: {  	_ =	shalt  }
0x57: {  	_ =	shalt  }
0x58: {  	_ =	shalt  }
0x59: {  	_ =	shalt  }
0x5a: {  	_ =	shalt  }
0x5b: {  	_ =	shalt  }
0x5c: {  	_ =	shalt  }
0x5d: {  	_ =	shalt  }
0x5e: {  	_ =	shalt  }
0x5f: {  	_ =	shalt  }
0x60: {  	_ =	shalt  }
0x61: {  	_ =	shalt  }
0x62: {  	_ =	shalt  }
0x63: {  	_ =	shalt  }
0x64: {  	_ =	shalt  }
0x65: {  	_ =	shalt  }
0x66: {  	_ =	shalt  }
0x67: {  	_ =	shalt  }
0x68: {  	_ =	shalt  }
0x69: {  	_ =	shalt  }
0x6a: {  	_ =	shalt  }
0x6b: {  	_ =	shalt  }
0x6c: {  	_ =	shalt  }
0x6d: {  	_ =	shalt  }
0x6e: {  	_ =	shalt  }
0x6f: {  	_ =	shalt  }
0x70: {  	_ =	shalt  }
0x71: {  	_ =	shalt  }
0x72: {  	_ =	shalt  }
0x73: {  	_ =	shalt  }
0x74: {  	_ =	shalt  }
0x75: {  	_ =	shalt  }
0x76: {  	_ =	shalt  }
0x77: {  	_ =	shalt  }
0x78: {  	_ =	shalt  }
0x79: {  	_ =	shalt  }
0x7a: {  	_ =	shalt  }
0x7b: {  	_ =	shalt  }
0x7c: {  	_ =	shalt  }
0x7d: {  	_ =	shalt  }
0x7e: {  	_ =	shalt  }
0x7f: {  	_ =	shalt  }
0x80: {  	_ =	shalt  }
0x81: {  	_ =	shalt  }
0x82: {  	_ =	shalt  }
0x83: {  	_ =	shalt  }
0x84: {  	_ =	shalt  }
0x85: {  	_ =	shalt  }
0x86: {  	_ =	shalt  }
0x87: {  	_ =	shalt  }
.Lfunc_end0:
.L_simem_size_0:
called_computation_lowered:
.L_overlay_start_0:
0x88: {  	s2 =	sld [smem:$0x3FD9]  }
0x89: {  	s3 =	sld [smem:$0x3FFE];
	_ =	sdelay $0x1  }
0x8a: {  	s1 =	srdreg.scid  }
0x8b: {  	s0 =	sand.u32 $0x1, s1  }
0x8c: {  	s17 =	sshll.u32 s0, $0xA;
	s2 =	sadd.s32 s3, s2  }
0x8d: {  	s2 =	sadd.s32 s2, s17  }
0x8e: {  	[smem:$0x3FC2] =	sst s2  }
0x8f: {  	_ = 	snop  }
0x90: {  	s2 =	sld [smem:$0x3FD0];
	(tm) =	ssettm $0x1  }
0x91: {  	s18 =	sld [smem:$0x3FFB];
	_ =	sdelay $0x3  }
0x92: {  	_ =	strace s18  }
0x93: {  	s3 =	sld [smem:$0x3FFC];
	_ =	sdelay $0x3  }
0x94: {  	_ =	strace s3  }
0x95: {  	s3 =	sld [smem:$0x3FFD];
	_ =	sdelay $0x3  }
0x96: {  	_ =	strace s3  }
0x97: {  	_ =	strace $0x8FFFFFFF  }
0x98: {  	s19 =	sld [smem:$0x3FDB];
	_ =	sdelay $0x1  }
0x99: {  	s4 =	simm.s32 $_scs_section_size  }
0x9a: {  	s5 =	simm.s32 $_size__tile_overlayer_lowered;
	s6 =	simm.s32 $_tile_overlayer_lowered  }
0x9b: {  	s22 =	simm.s32 $0x1BFF;
	s21 =	sshll.u32 s6, $0x1;
	s3 =	sadd.s32 s4, s19  }
0x9c: {  	s7 =	simm.s32 $0x0;
	s20 =	sshll.u32 s5, $0x1;
	s5 =	sadd.s32 s21, s3  }
0x9d: {  	[timem:s7], [sflag:s22] =	dma.local [hbm:s5], s20  }
0x9e: {  	_ =	swait.ge [sflag:s22], s20  }
0x9f: {  	s4 =	ssub.s32 $0x0, s20;
	[sflag:s22] =	ssyncset.done $0x0  }
0xa0: {  	[sflag:s22] =	ssyncadd.s32 s4;
	_ =	sdelay $0x1  }
0xa1: {  	s23 =	simm.s32 $0x1B8B  }
0xa2: {  	_ =	swait.ge [sflag:s23], $0x1  }
0xa3: {  	[sflag:s23] =	ssyncset.done $0x0  }
0xa4: {  	s25 =	simm.s32 $0x1B8E;
	s24 =	sld [smem:$0x3FFE];
	[sflag:s23] =	ssyncadd.s32 $0xFFFFFFFF  }
0xa5: {  	s26 =	simm.s32 $execute0_lowered;
	[smem:$0x3FD2] =	sst s25  }
0xa6: {  	s5 =	sshll.u32 s26, $0x1;
	_ =	strace $0x80000046;
	[dreg:$0x1] =	wrdreg $0xFFFFFFFF  }
0xa7: {  	s28 =	simm.s32 $_size_execute0_lowered;
	s3 =	sadd.s32 s3, s5;
	[dreg:$0x0] =	wrdreg $0x0  }
0xa8: {  	s5 =	sshll.u32 s28, $0x1;
	[dreg:$0x2] =	wrdreg s3  }
0xa9: {  	[dreg:$0x3] =	wrdreg s5  }
0xaa: {  	[dreg:$0x4] =	wrdreg $0xC0  }
0xab: {  	_ =	task [dreg:s7], $0x5FFFF  }
0xac: {  	[dreg:$0x1] =	wrdreg $0xFFFFFFFF  }
0xad: {  	[dreg:$0x0] =	wrdreg $0x60  }
0xae: {  	[dreg:$0x2] =	wrdreg s24  }
0xaf: {  	[dreg:$0x3] =	wrdreg s2  }
0xb0: {  	[dreg:$0x4] =	wrdreg $0x20000  }
0xb1: {  	[dreg:$0x5] =	wrdreg $0x9  }
0xb2: {  	_ =	task.clear_ibuf [dreg:s7], $0x6FFFF;
	_ =	strace $0x90000046  }
0xb3: {  	s29 =	simm.s32 $0x9;
	_ =	strace $0x80000048  }
0xb4: {  	_ =	swait.ge [sflag:s29], $0x1  }
0xb5: {  	[sflag:s29] =	ssyncadd.s32 $0xFFFFFFFF  }
0xb6: {  	_ =	strace $0x90000048  }
0xb7: {  	_ =	sfence  }
0xb8: {  	s30 =	sld [smem:$0x0];
	_ =	sdelay $0x2  }
0xb9: {  	s31 =	sshll.u32 s1, $0xD;
	s1 =	sshrl.u32 s1, $0x2  }
0xba: {  	s3 =	sand.u32 $0x4000, s31;
	s1 =	sadd.s32 s1, s30  }
0xbb: {  	s0 =	sor.u32 s3, s0;
	s1 =	sshll.u32 s1, $0x11  }
0xbc: {  	s0 =	sor.u32 s1, s0  }
0xbd: {  	s0 =	sadd.s32 $0x8F2B, s0  }
0xbe: {  	[sflag:s0] =	ssyncadd.remote.s32 $0x1  }
0xbf: {  	_ =	sfence.sel $0xFFFF  }
0xc0: {  	[dreg:$0x0] =	wrdreg $0xFFFFFFFF;
	(pc) =	sbr.abs _section_cstart, $3  }
0xc1: {  	[dreg:$0x1] =	wrdreg $0xFFFFFFFF  }
0xc2: {  	_ =	task.clear_ibuf [dreg:s7], $0x2FFFF;
	_ =	strace $0x9FFFFFFF  }
0xc3: {  	(tm) =	ssettm $0x7FFFFFFF  }
tec
execute0_lowered:
.L_overlay_start_1:
0x0: {  	(tag) =	ssettag $0x1  }
0x1: {  	s5 =	rddreg [dreg:$0x0]  }
0x2: {  	s6 =	rddreg [dreg:$0x1]  }
0x3: {  	s0 =	srdreg.scid;
	s2 =	rddreg [dreg:$0x2]  }
0x4: {  	s3 =	simm.s32 $0x0;
	s17 =	simm.s32 $0x2;
	s18 =	simm.s32 $0x1400  }
0x5: {  	s19 =	simm.s32 $0x1;
	s4 =	sand.u32 $0x1, s0;
	s0 =	stileid.u32  }
0x6: {  	s20 =	simm.s32 $0x80;
	s21 =	simm.s32 $0x1800;
	s8 =	smul.u32 $0x500, s0  }
0x7: {  	[smem:$0x7FF] =	sst s3;
	s1 =	sshll.u32 s4, $0x4;
	s9 =	smul.u32 $0xA000, s0  }
0x8: {  	s10 =	ssub.s32 $0x2, s4;
	s4 =	smul.u32 $0x5000, s4;
	s1 =	sor.u32 s0, s1  }
0x9: {  	s31 =	sshrl.u32 s10, $0x1;
	s7 =	smul.u32 $0x280, s1;
	s1 =	rddreg [dreg:$0x3]  }
0xa: {  	_ =	strace $0x80000047;
	s9 =	sshrl.u32 s9, $0x2;
	s8 =	sadd.s32 s8, s4  }
0xb: {  	s6 =	sadd.s32 s6, s8;
	s5 =	sadd.s32 s7, s5;
	s7 =	ssub.s32 s10, s31  }
0xc: {  	s4 =	sadd.s32 $0x2200, s5;
	s5 =	sadd.s32 s9, s2;
	s7 =	smax.u32 s7, $0x1  }
0xd: {  	s8 =	sadd.s32 $0x400, s5;
	s9 =	sadd.s32 $0x800, s5;
	s10 =	sadd.s32 $0xC00, s5  }
0xe: {  	s11 =	sadd.s32 $0x1000, s5;
	s12 =	sadd.s32 $0x1400, s5;
	s13 =	sadd.s32 $0x1800, s5  }
0xf: {  	v0 =	vimm.f32 $0.0e+00;
	v1 =	vimm.f32 $1.000000000e+00;
	s14 =	sadd.s32 $0x1C00, s5;
	s15 =	sadd.s32 $0x2000, s5;
	s16 =	sadd.s32 $0x2400, s5  }
.LBB2_1:
0x10: {  	s22 =	simm.s32 $0x0  }
.LBB2_2:
0x11: {  	p0 =	sne.s32 s22, $0xFC0  }
.Ltmp0:
0x12: {  	_ = 	snop;
	(pc) =	sbr.rel @p0 .LBB2_2-.Ltmp0, $3  }
0x13: {  	_ =	sdelay $0x1  }
0x14: {  	s23 =	sshra.s32 s22, $0x2  }
0x15: {  	s22 =	sadd.s32 $0x40, s22;
	[tilespmem:s23+$0x1400] =	vst v0  }
0x16: {  	s22 =	simm.s32 $0x40;
	s23 =	simm.s32 $0x0  }
.LBB2_4:
0x17: {  	p0 =	sne.s32 s22, $0x1FC0;
	[tilespmem:s23+$0x1800] =	vst v1;
	s23 =	smov.u32 s22;
	s22 =	sadd.s32 $0x40, s22  }
.Ltmp1:
0x18: {  	(pc) =	sbr.rel @p0 .LBB2_4-.Ltmp1, $2  }
0x19: {  	_ =	sdelay $0x2  }
0x1a: {  	s23 =	sshra.s32 s23, $0x2  }
0x1b: {  	[tilespmem:s23+$0x1800] =	vst v1;
	s22 =	simm.s32 $0x0  }
0x1c: {  	[tilespmem:s22], [sflag:$0x2] =	stream.linear.gather [hbm4b:s4+s22], $0x1400, $0x38;
	[tilespmem:$0x4800] =	vst v63  }
0x1d: {  	_ =	swait.ge [sflag:s17], $0x1400  }
0x1e: {  	[sflag:s17] =	ssyncset.done $0x0  }
0x1f: {  	[sflag:s17] =	ssyncadd.s32 $0xFFFFEC00  }
0x20: {  	[spmem:s5] =	stream.linear.scatter [tilespmem:s18], [sflag:$0x1], $0x400, $0x38;
	[tilespmem:$0x4800] =	vst v63  }
0x21: {  	_ = 	snop  }
0x22: {  	[spmem:s8] =	stream.linear.scatter [tilespmem:s18], [sflag:$0x1], $0x400, $0x38;
	[tilespmem:$0x4800] =	vst v63  }
0x23: {  	_ = 	snop  }
0x24: {  	[spmem:s9] =	stream.linear.scatter [tilespmem:s18], [sflag:$0x1], $0x400, $0x38;
	[tilespmem:$0x4800] =	vst v63  }
0x25: {  	_ = 	snop  }
0x26: {  	[spmem:s10] =	stream.linear.scatter [tilespmem:s18], [sflag:$0x1], $0x400, $0x38;
	[tilespmem:$0x4800] =	vst v63  }
0x27: {  	_ = 	snop  }
0x28: {  	[spmem:s11] =	stream.linear.scatter [tilespmem:s18], [sflag:$0x1], $0x400, $0x38;
	[tilespmem:$0x4800] =	vst v63  }
0x29: {  	_ = 	snop  }
0x2a: {  	[spmem:s12] =	stream.linear.scatter [tilespmem:s18], [sflag:$0x1], $0x400, $0x38;
	[tilespmem:$0x4800] =	vst v63  }
0x2b: {  	_ = 	snop  }
0x2c: {  	[spmem:s13] =	stream.linear.scatter [tilespmem:s18], [sflag:$0x1], $0x400, $0x38;
	[tilespmem:$0x4800] =	vst v63  }
0x2d: {  	_ = 	snop  }
0x2e: {  	[spmem:s14] =	stream.linear.scatter [tilespmem:s18], [sflag:$0x1], $0x400, $0x38;
	[tilespmem:$0x4800] =	vst v63  }
0x2f: {  	_ = 	snop  }
0x30: {  	[spmem:s15] =	stream.linear.scatter [tilespmem:s18], [sflag:$0x1], $0x400, $0x38;
	[tilespmem:$0x4800] =	vst v63  }
0x31: {  	_ = 	snop  }
0x32: {  	[spmem:s16] =	stream.linear.scatter [tilespmem:s18], [sflag:$0x1], $0x400, $0x38;
	[tilespmem:$0x4800] =	vst v63  }
0x33: {  	_ =	swait.ge [sflag:s19], $0x400  }
0x34: {  	[sflag:s19] =	ssyncset.done $0x0  }
0x35: {  	[sflag:s19] =	ssyncadd.s32 $0xFFFFFC00  }
0x36: {  	_ =	swait.ge [sflag:s19], $0x400  }
0x37: {  	[sflag:s19] =	ssyncset.done $0x0  }
0x38: {  	[sflag:s19] =	ssyncadd.s32 $0xFFFFFC00  }
0x39: {  	_ =	swait.ge [sflag:s19], $0x400  }
0x3a: {  	[sflag:s19] =	ssyncset.done $0x0  }
0x3b: {  	[sflag:s19] =	ssyncadd.s32 $0xFFFFFC00  }
0x3c: {  	_ =	swait.ge [sflag:s19], $0x400  }
0x3d: {  	[sflag:s19] =	ssyncset.done $0x0  }
0x3e: {  	[sflag:s19] =	ssyncadd.s32 $0xFFFFFC00  }
0x3f: {  	_ =	swait.ge [sflag:s19], $0x400  }
0x40: {  	[sflag:s19] =	ssyncset.done $0x0  }
0x41: {  	[sflag:s19] =	ssyncadd.s32 $0xFFFFFC00  }
0x42: {  	_ =	swait.ge [sflag:s19], $0x400  }
0x43: {  	[sflag:s19] =	ssyncset.done $0x0  }
0x44: {  	[sflag:s19] =	ssyncadd.s32 $0xFFFFFC00  }
0x45: {  	_ =	swait.ge [sflag:s19], $0x400  }
0x46: {  	[sflag:s19] =	ssyncset.done $0x0  }
0x47: {  	[sflag:s19] =	ssyncadd.s32 $0xFFFFFC00  }
0x48: {  	_ =	swait.ge [sflag:s19], $0x400  }
0x49: {  	[sflag:s19] =	ssyncset.done $0x0  }
0x4a: {  	[sflag:s19] =	ssyncadd.s32 $0xFFFFFC00  }
0x4b: {  	_ =	swait.ge [sflag:s19], $0x400  }
0x4c: {  	[sflag:s19] =	ssyncset.done $0x0  }
0x4d: {  	[sflag:s19] =	ssyncadd.s32 $0xFFFFFC00  }
0x4e: {  	_ =	swait.ge [sflag:s19], $0x400  }
0x4f: {  	[sflag:s19] =	ssyncset.done $0x0  }
0x50: {  	[sflag:s19] =	ssyncadd.s32 $0xFFFFFC00  }
0x51: {  	s31 =	simm.s32 $0x0;
	[bflag:$0x0] =	sbarrier.arrive $0xFFFF  }
0x52: {  	[spmem:s2] =	stream.indirect.scatter.add.f32 [tilespmem:s21], [sflag:$0x2], $0x10, s31, s20, $0xb8;
	[tilespmem:$0x4800] =	vst v63  }
0x53: {  	_ =	swait.ge [sflag:s17], $0x800  }
0x54: {  	s22 =	simm.s32 $0x200;
	[sflag:s17] =	ssyncset.done $0x0  }
.LBB2_6:
0x55: {  	s23 =	sshra.s32 s22, $0x2;
	[sflag:s17] =	ssyncadd.s32 $0xFFFFF800;
	p0 =	sne.s32 s22, $0x4E00  }
0x56: {  	[spmem:s2] =	stream.indirect.scatter.add.f32 [tilespmem:s21], [sflag:$0x2], $0x10, s23, s20, $0xb8;
	[tilespmem:$0x4800] =	vst v63  }
.Ltmp2:
0x57: {  	_ = 	snop;
	(pc) =	sbr.rel @p0 .LBB2_6-.Ltmp2, $4  }
0x58: {  	_ = 	snop  }
0x59: {  	s22 =	sadd.s32 $0x200, s22  }
0x5a: {  	_ =	swait.ge [sflag:s17], $0x800  }
0x5b: {  	[sflag:s17] =	ssyncset.done $0x0  }
0x5c: {  	[sflag:s17] =	ssyncadd.s32 $0xFFFFF800;
	s3 =	sadd.s32 $0x1, s3  }
0x5d: {  	s22 =	sshll.u32 s0, $0x6;
	s23 =	sshrl.u32 s5, $0x3;
	p0 =	sne.s32 s3, s7  }
.Ltmp3:
0x5e: {  	[bflag:$0x0] =	sbarrier.arrive $0xFFFF;
	s22 =	sor.u32 $0x1C02, s22;
	(pc) =	sbr.rel @p0 .LBB2_1-.Ltmp3, $4  }
0x5f: {  	[hbm:s6], [sflag:s22] =	dma.local [spmem:s23], $0x500  }
0x60: {  	_ =	swait.ge [sflag:s17], $0x500  }
0x61: {  	[sflag:s17] =	ssyncset.done $0x0  }
0x62: {  	[sflag:s17] =	ssyncadd.s32 $0xFFFFFB00  }
0x63: {  	_ =	sfence.sel $0x180000  }
0x64: {  	[bflag:$0x0] =	sbarrier.arrive $0xFFFF  }
0x65: {  	p0 =	sne.s32 s0, $0x0;
	_ =	strace $0x90000047  }
0x66: {  	s0 =	sadd.s32 @!p0 $0x100000, s1;
	[bflag:$0x2] =	sbarrier.arrive $0xFFFF  }
0x67: {  	[sflag:s0] =	ssyncadd.tile.s32 @!p0 $0x1;
	_ =	shalt  }
.Lfunc_end2:
_tile_overlayer_lowered:
.L_overlay_start_2:
0x68: {  	(tag) =	ssettag $0x2  }
0x69: {  	s0 =	rddreg [dreg:$0x0];
	s2 =	stileid.u32  }
0x6a: {  	s1 =	rddreg [dreg:$0x1];
	p0 =	sne.s32 s2, $0x0  }
0x6b: {  	s3 =	rddreg [dreg:$0x2];
	[bflag:$0x3] =	sbarrier.arrive $0xFFFF;
	s2 =	simm.s32 @!p0 $0x1C02  }
0x6c: {  	[timem:s3], [sflag:s2] =	dma.local @!p0 [hbm:s0], s1  }
0x6d: {  	s0 =	simm.s32 @!p0 $0x2  }
0x6e: {  	_ =	swait.ge @!p0 [sflag:s0], s1  }
0x6f: {  	s1 =	ssub.s32 @!p0 $0x0, s1;
	[sflag:s0] =	ssyncset.done @!p0 $0x0  }
0x70: {  	[sflag:s0] =	ssyncadd.s32 @!p0 s1  }
0x71: {  	[bflag:$0x3] =	sbarrier.arrive $0xFFFF  }
0x72: {  	_ =	shalt  }

</sc_bundles>
